<compile_context>
chip_gen: v7x
topology: tpu7x:2x2x1
jax: 0.10.2.dev20260603
libtpu: 0.0.44.dev20260713+nightly
codegen_flags: <defaults>
</compile_context>

<pallas_src>
import functools

import jax
import jax.numpy as jnp
from jax import lax
from jax.experimental import pallas as pl
from jax.experimental.pallas import tpu as pltpu
from jax.experimental.pallas import tpu_sc as plsc

_RES = 32
_EPS = 1e-08
_B = 8
_N = 32768
_C = 64
_V = _RES ** 3

_K = 512
_KBLK = 8192
_KV = 8192
_GCH = 128

_SC_MESH = plsc.VectorSubcoreMesh(core_axis_name="c", subcore_axis_name="s")


@functools.partial(
    pl.kernel,
    mesh=_SC_MESH,
    compiler_params=pltpu.CompilerParams(needs_layout_passes=False),
    out_type=jax.ShapeDtypeStruct((_B * _V,), jnp.int32),
    scratch_types=[
        pltpu.VMEM((_N,), jnp.int32),
        pltpu.VMEM((_V,), jnp.int32),
    ],
)
def _sc_hist_cum(vox_hbm, cum_hbm, buf_v, hist_v):
    cid = lax.axis_index("c")
    sid = lax.axis_index("s")
    wid = sid * 2 + cid

    @pl.when(wid < _B)
    def _():
        b = wid
        pltpu.sync_copy(vox_hbm.at[pl.ds(b * _N, _N)], buf_v)

        zeros16 = jnp.zeros((16,), jnp.int32)

        def _zero(i, carry):
            hist_v[pl.ds(i * 16, 16)] = zeros16
            return carry

        lax.fori_loop(0, _V // 16, _zero, 0)

        ones16 = jnp.ones((16,), jnp.int32)
        lane = lax.broadcasted_iota(jnp.int32, (16,), 0)

        def _hist(i, carry):
            idx = buf_v[pl.ds(i * 16, 16)]
            for j in range(16):
                plsc.addupdate_scatter(hist_v, [idx], ones16, mask=lane == j)
            return carry

        lax.fori_loop(0, _N // 16, _hist, 0)

        def _cum(i, carry):
            v = hist_v[pl.ds(i * 16, 16)]
            cs = jnp.cumsum(v) + carry
            buf_v[pl.ds(i * 16, 16)] = cs
            return carry + jnp.sum(v)

        lax.fori_loop(0, _V // 16, _cum, jnp.int32(0))
        pltpu.sync_copy(buf_v, cum_hbm.at[pl.ds(b * _V, _V)])


@functools.partial(
    pl.kernel,
    mesh=_SC_MESH,
    compiler_params=pltpu.CompilerParams(
        needs_layout_passes=False, use_tc_tiling_on_sc=False
    ),
    out_type=jax.ShapeDtypeStruct((_B * _V, _C), jnp.float32),
    scratch_types=[
        pltpu.VMEM((_V // 4,), jnp.int32),
        pltpu.VMEM((4, _GCH), jnp.int32),
        pltpu.VMEM((4, _GCH, _C), jnp.float32),
        pltpu.SemaphoreType.DMA,
        pltpu.SemaphoreType.DMA,
        pltpu.SemaphoreType.DMA,
        pltpu.SemaphoreType.DMA,
        pltpu.SemaphoreType.DMA,
        pltpu.SemaphoreType.DMA,
        pltpu.SemaphoreType.DMA,
        pltpu.SemaphoreType.DMA,
    ],
)
def _sc_gather(s_hbm, cum_hbm, g_hbm, cum_v, idx_v, rows_v,
               g0, g1, g2, g3, w0, w1, w2, w3):
    gsem = (g0, g1, g2, g3)
    wsem = (w0, w1, w2, w3)
    cid = lax.axis_index("c")
    sid = lax.axis_index("s")
    wid = sid * 2 + cid
    b = wid // 4
    per_w = _V // 4
    base = wid * per_w
    pltpu.sync_copy(cum_hbm.at[pl.ds(base, per_w)], cum_v)
    boff = b * _N
    nrounds = per_w // (4 * _GCH)

    def _round(r, carry):
        for t in range(4):
            k = r * 4 + t

            @pl.when(r > 0)
            def _():
                pltpu.make_async_copy(
                    rows_v.at[t],
                    g_hbm.at[pl.ds(base + (k - 4) * _GCH, _GCH)],
                    wsem[t],
                ).wait()

            def _lanes(j, c2, k=k, t=t):
                v = cum_v[pl.ds(k * _GCH + j * 16, 16)]
                idx_v[t, pl.ds(j * 16, 16)] = jnp.maximum(v - 1, 0) + boff
                return c2

            lax.fori_loop(0, _GCH // 16, _lanes, 0)
            pltpu.async_copy(s_hbm.at[idx_v.at[t]], rows_v.at[t], gsem[t])
        for t in range(4):
            k = r * 4 + t
            pltpu.make_async_copy(s_hbm.at[idx_v.at[t]], rows_v.at[t], gsem[t]).wait()
            pltpu.async_copy(
                rows_v.at[t], g_hbm.at[pl.ds(base + k * _GCH, _GCH)], wsem[t]
            )
        return carry

    lax.fori_loop(0, nrounds, _round, 0)
    for t in range(4):
        k = (nrounds - 1) * 4 + t
        pltpu.make_async_copy(
            rows_v.at[t], g_hbm.at[pl.ds(base + k * _GCH, _GCH)], wsem[t]
        ).wait()


def _scan_body(feat_ref, tri_ref, s_ref, carry_ref):
    j = pl.program_id(1)

    @pl.when(j == 0)
    def _():
        carry_ref[...] = jnp.zeros((1, _C), jnp.float32)

    tri = tri_ref[...]
    c = carry_ref[...]
    for t in range(_KBLK // _K):
        x = feat_ref[0, :, t * _K:(t + 1) * _K]
        sc = lax.dot_general(
            tri, x,
            dimension_numbers=(((1,), (1,)), ((), ())),
            precision=lax.Precision.HIGHEST,
            preferred_element_type=jnp.float32,
        )
        sc = sc + c
        s_ref[0, t * _K:(t + 1) * _K, :] = sc
        c = sc[_K - 1:_K, :]
    carry_ref[...] = c


def _fin_body(g_ref, gp_ref, cum_ref, cump_ref, eye_ref, out_ref):
    j = pl.program_id(1)
    x = g_ref[0]
    eye = eye_ref[...]
    xT = lax.dot_general(
        eye, x, dimension_numbers=(((1,), (1,)), ((), ())),
        precision=lax.Precision.HIGHEST,
        preferred_element_type=jnp.float32,
    )
    xpT = lax.dot_general(
        eye, gp_ref[0],
        dimension_numbers=(((1,), (1,)), ((), ())),
        precision=lax.Precision.HIGHEST,
        preferred_element_type=jnp.float32,
    )
    cum = cum_ref[0]
    cum_pl = jnp.where(j == 0, 0, cump_ref[0, 0, 0])
    cum_m1 = jnp.concatenate(
        [jnp.full((1, 1), cum_pl, jnp.int32), cum[:, :_KV - 1]], axis=1
    )
    hist = cum - cum_m1
    valid = hist > 0
    xTm1 = jnp.concatenate([xpT, xT[:, :_KV - 1]], axis=1)
    gm1 = jnp.where(cum_m1 >= 1, xTm1, 0.0)
    gcur = jnp.where(cum >= 1, xT, 0.0)
    mean = (gcur - gm1) / jnp.maximum(hist, 1).astype(jnp.float32)
    out_ref[0] = jnp.where(valid, mean, 0.0)


def kernel(pts, feat):
    pts_d = lax.stop_gradient(pts)
    pn = pts_d - jnp.min(pts_d, axis=2, keepdims=True)
    pn = pn / (jnp.max(jnp.linalg.norm(pn, axis=1)) + _EPS)
    vi3 = (pn * (_RES - 1)).astype(jnp.int32)
    vox = vi3[:, 0, :] + vi3[:, 1, :] * _RES + vi3[:, 2, :] * _RES * _RES
    vox1 = vox.reshape(_B * _N)

    cum1 = _sc_hist_cum(vox1)

    tri = jnp.tri(_K, dtype=jnp.float32)
    s = pl.pallas_call(
        _scan_body,
        grid=(_B, _N // _KBLK),
        in_specs=[
            pl.BlockSpec((1, _C, _KBLK), lambda b, j: (b, 0, j)),
            pl.BlockSpec((_K, _K), lambda b, j: (0, 0)),
        ],
        out_specs=pl.BlockSpec((1, _KBLK, _C), lambda b, j: (b, j, 0)),
        out_shape=jax.ShapeDtypeStruct((_B, _N, _C), jnp.float32),
        scratch_shapes=[pltpu.VMEM((1, _C), jnp.float32)],
    )(feat, tri)

    g = _sc_gather(s.reshape(_B * _N, _C), cum1)

    nb = _V // _KV
    cumr = cum1.reshape(_B * nb, 1, _KV)
    g3 = g.reshape(_B, _V, _C)
    glast = g3[:, _KV - 1::_KV, :].reshape(_B * nb, 1, _C)
    cumlast = cum1.reshape(_B * nb, _KV)[:, _KV - 1:].reshape(_B * nb, 1, 1)
    eye = jnp.eye(_C, dtype=jnp.float32)
    out = pl.pallas_call(
        _fin_body,
        grid=(_B, _V // _KV),
        in_specs=[
            pl.BlockSpec((1, _KV, _C), lambda b, j: (b, j, 0)),
            pl.BlockSpec((1, 1, _C), lambda b, j: (b * nb + jnp.maximum(j - 1, 0), 0, 0)),
            pl.BlockSpec((1, 1, _KV), lambda b, j: (b * nb + j, 0, 0)),
            pl.BlockSpec((1, 1, 1), lambda b, j: (b * nb + jnp.maximum(j - 1, 0), 0, 0)),
            pl.BlockSpec((_C, _C), lambda b, j: (0, 0)),
        ],
        out_specs=pl.BlockSpec((1, _C, _KV), lambda b, j: (b, 0, j)),
        out_shape=jax.ShapeDtypeStruct((_B, _C, _V), jnp.float32),
    )(g3, glast, cumr, cumlast, eye)

    return out.reshape(_B, _C, _RES, _RES, _RES)

# --- scband reference (transcript-rebuilt; emitter-appended) ---
"""Pipeline reference for scband-voxelization-57062935495023 (READ-ONLY COPY).

The authoritative reference and input builder live on the scoring server;
editing this copy changes nothing except your own understanding.
"""

import jax, jax.numpy as jnp
import numpy as np

RESOLUTION = 32
EPS = 1e-08


def setup_inputs(seed: int = 0) -> dict:
    key = jax.random.key(seed)
    k1, k2 = jax.random.split(key)
    pts = jax.random.uniform(k1, (8, 3, 32768), dtype=jnp.float32)
    feat = jax.random.normal(k2, (8, 64, 32768), dtype=jnp.float32)
    return {"pts": pts, "feat": feat}


def _voxelize(pts, feat):
    res = RESOLUTION
    B, _, N = pts.shape
    C = feat.shape[1]
    # indices computed under no_grad in the original module
    pts_d = jax.lax.stop_gradient(pts)
    pn = pts_d - jnp.min(pts_d, axis=2, keepdims=True)
    pn = pn / (jnp.max(jnp.linalg.norm(pn, axis=1)) + EPS)
    vi3 = (pn * (res - 1)).astype(jnp.int32)  # values are >= 0 so trunc == floor, matches torch .long()
    vox = vi3[:, 0, :] + vi3[:, 1, :] * res + vi3[:, 2, :] * res * res  # [B, N]
    sv = jnp.sort(vox, axis=1)
    # run-id per sorted position (the torch loop enumerates unique runs of sv)
    change = jnp.concatenate(
        [jnp.zeros((B, 1), dtype=jnp.int32), (sv[:, 1:] != sv[:, :-1]).astype(jnp.int32)], axis=1
    )
    seg = jnp.cumsum(change, axis=1)  # [B, N]

    def per_batch(sv_b, seg_b, feat_b):
        # NOTE: faithful to the original torch code, which averages feat at RAW positions
        # start:end of each sorted run (sample_pts_indices is arange, so pts_idx_span == start..end-1),
        # i.e. it does NOT remap through the sort permutation.
        sums = jax.ops.segment_sum(feat_b.T, seg_b, num_segments=N)  # [N, C]
        counts = jax.ops.segment_sum(jnp.ones((N,), dtype=jnp.float32), seg_b, num_segments=N)
        means = sums / jnp.maximum(counts, 1.0)[:, None]
        seg_vals = jax.ops.segment_max(sv_b, seg_b, num_segments=N)  # run value = sv at run start
        valid = counts > 0
        idx = jnp.where(valid, seg_vals, res ** 3)  # out-of-bounds -> dropped
        voxel_b = jnp.zeros((res ** 3, C), dtype=jnp.float32)
        voxel_b = voxel_b.at[idx].set(means, mode="drop")
        return voxel_b

    voxel = jax.vmap(per_batch)(sv, seg, feat)  # [B, res^3, C]
    return jnp.transpose(voxel, (0, 2, 1)).reshape(B, C, res, res, res)


def reference(pts, feat):
    return _voxelize(pts, feat)

if __name__ == "__main__":
    import jax
    _d = setup_inputs()
    print(jax.jit(kernel)(*tuple(_d.values())))

</pallas_src>

<mosaic_0001>
#map = affine_map<(d0, d1) -> (0)>
module attributes {stable_mosaic.version = 14 : i64} {
  func.func @_sc_hist_cum(%arg0: i32, %arg1: i32, %arg2: memref<262144xi32, #tpu.memory_space<hbm>>, %arg3: memref<262144xi32, #tpu.memory_space<hbm>>, %arg4: memref<32768xi32, #tpu.memory_space<vmem>>, %arg5: memref<32768xi32, #tpu.memory_space<vmem>>) attributes {dimension_semantics = [#tpu.dimension_semantics<core_parallel>, #tpu.dimension_semantics<subcore_parallel>], iteration_bounds = array<i64: 2, 16>, scalar_prefetch = 0 : i64, scratch_operands = 2 : i64, tpu.core_type = #tpu.core_type<sc_vector_subcore>, window_params = [{transform_indices = #map}, {transform_indices = #map}]} {
    %mul3A = arith.constant 2 : i32
    %mul3A_0 = arith.muli %arg1, %mul3A : i32
    %add3A = arith.addi %mul3A_0, %arg0 : i32
    %lt3A = arith.constant 8 : i32
    %lt3A_1 = arith.cmpi slt, %add3A, %lt3A : i32
    %convert_element_type3A = arith.extui %lt3A_1 : i1 to i32
    %cond3A = arith.constant 0 : i32
    %cond3A_2 = arith.cmpi ne, %convert_element_type3A, %cond3A : i32
    scf.if %cond3A_2 {
      %mul3A_3 = arith.constant 32768 : i32
      %mul3A_4 = arith.muli %add3A, %mul3A_3 : i32
      "tpu.region"() ({
        %run_scoped3A = tpu.sem_alloc : memref<!tpu.dma_semaphore, #tpu.memory_space<semaphore_mem>>
        %dma_start3A = tpu.memref_slice %arg2[%mul3A_4] : memref<262144xi32, #tpu.memory_space<hbm>> -> memref<32768xi32, #tpu.memory_space<hbm>>
        %dma_start3A_28 = tpu.memref_slice %arg2[%mul3A_4] : memref<262144xi32, #tpu.memory_space<hbm>> -> memref<32768xi32, #tpu.memory_space<hbm>>
        tpu.enqueue_dma source(%dma_start3A_28 : memref<32768xi32, #tpu.memory_space<hbm>>) target(%arg4 : memref<32768xi32, #tpu.memory_space<vmem>>) target_semaphore(%run_scoped3A : memref<!tpu.dma_semaphore, #tpu.memory_space<semaphore_mem>>)
        %dma_wait3A = tpu.memref_slice %arg2[%mul3A_4] : memref<262144xi32, #tpu.memory_space<hbm>> -> memref<32768xi32, #tpu.memory_space<hbm>>
        %dma_wait3A_29 = tpu.memref_slice %arg2[%mul3A_4] : memref<262144xi32, #tpu.memory_space<hbm>> -> memref<32768xi32, #tpu.memory_space<hbm>>
        tpu.wait_dma2 semaphore(%run_scoped3A : memref<!tpu.dma_semaphore, #tpu.memory_space<semaphore_mem>>) src(%dma_wait3A_29 : memref<32768xi32, #tpu.memory_space<hbm>>) dst(%arg4 : memref<32768xi32, #tpu.memory_space<vmem>>)
        tpu.yield
      }) : () -> ()
      %broadcast_in_dim3A = arith.constant 0 : i32
      %broadcast_in_dim3A_5 = vector.broadcast %broadcast_in_dim3A : i32 to vector<16xi32>
      %scan3A = arith.constant 0 : i32
      %scan3A_6 = arith.constant 0 : i32
      %scan3A_7 = arith.constant 2048 : i32
      %scan3A_8 = arith.addi %scan3A_6, %scan3A_7 : i32
      %scan3A_9 = arith.constant 1 : i32
      scf.for %scan3A_28 = %scan3A_6 to %scan3A_8 step %scan3A_9  : i32 {
        %mul3A_29 = arith.constant 16 : i32
        %mul3A_30 = arith.muli %scan3A_28, %mul3A_29 : i32
        %swap3A = arith.index_cast %mul3A_30 : i32 to index
        %swap3A_31 = tpu.vector_load %arg5[%swap3A] {strides = array<i32>} : memref<32768xi32, #tpu.memory_space<vmem>>, vector<16xi32>,
        tpu.vector_store %arg5[%swap3A], %broadcast_in_dim3A_5 {strides = array<i32>} : memref<32768xi32, #tpu.memory_space<vmem>>, vector<16xi32>,
      }
      %scan3A_10 = arith.constant 2048 : i32
      %broadcast_in_dim3A_11 = arith.constant 1 : i32
      %broadcast_in_dim3A_12 = vector.broadcast %broadcast_in_dim3A_11 : i32 to vector<16xi32>
      %iota3A = tpu.iota {dimensions = array<i32: 0>} : vector<16xi32>
      %scan3A_13 = arith.constant 0 : i32
      %scan3A_14 = arith.constant 0 : i32
      %scan3A_15 = arith.constant 2048 : i32
      %scan3A_16 = arith.addi %scan3A_14, %scan3A_15 : i32
      %scan3A_17 = arith.constant 1 : i32
      scf.for %scan3A_28 = %scan3A_14 to %scan3A_16 step %scan3A_17  : i32 {
        %mul3A_29 = arith.constant 16 : i32
        %mul3A_30 = arith.muli %scan3A_28, %mul3A_29 : i32
        %get3A = arith.index_cast %mul3A_30 : i32 to index
        %get3A_31 = tpu.vector_load %arg4[%get3A] {strides = array<i32>} : memref<32768xi32, #tpu.memory_space<vmem>>, vector<16xi32>,
        %eq3A = arith.constant 0 : i32
        %eq3A_32 = vector.broadcast %eq3A : i32 to vector<16xi32>
        %eq3A_33 = arith.cmpi eq, %iota3A, %eq3A_32 : vector<16xi32>
        tpu.vector_store_idx %arg5[%get3A_31], %broadcast_in_dim3A_12 masked %eq3A_33 {add = true} : memref<32768xi32, #tpu.memory_space<vmem>>[vector<16xi32>], vector<16xi32>, vector<16xi1>
        %eq3A_34 = arith.constant 1 : i32
        %eq3A_35 = vector.broadcast %eq3A_34 : i32 to vector<16xi32>
        %eq3A_36 = arith.cmpi eq, %iota3A, %eq3A_35 : vector<16xi32>
        tpu.vector_store_idx %arg5[%get3A_31], %broadcast_in_dim3A_12 masked %eq3A_36 {add = true} : memref<32768xi32, #tpu.memory_space<vmem>>[vector<16xi32>], vector<16xi32>, vector<16xi1>
        %eq3A_37 = arith.constant 2 : i32
        %eq3A_38 = vector.broadcast %eq3A_37 : i32 to vector<16xi32>
        %eq3A_39 = arith.cmpi eq, %iota3A, %eq3A_38 : vector<16xi32>
        tpu.vector_store_idx %arg5[%get3A_31], %broadcast_in_dim3A_12 masked %eq3A_39 {add = true} : memref<32768xi32, #tpu.memory_space<vmem>>[vector<16xi32>], vector<16xi32>, vector<16xi1>
        %eq3A_40 = arith.constant 3 : i32
        %eq3A_41 = vector.broadcast %eq3A_40 : i32 to vector<16xi32>
        %eq3A_42 = arith.cmpi eq, %iota3A, %eq3A_41 : vector<16xi32>
        tpu.vector_store_idx %arg5[%get3A_31], %broadcast_in_dim3A_12 masked %eq3A_42 {add = true} : memref<32768xi32, #tpu.memory_space<vmem>>[vector<16xi32>], vector<16xi32>, vector<16xi1>
        %eq3A_43 = arith.constant 4 : i32
        %eq3A_44 = vector.broadcast %eq3A_43 : i32 to vector<16xi32>
        %eq3A_45 = arith.cmpi eq, %iota3A, %eq3A_44 : vector<16xi32>
        tpu.vector_store_idx %arg5[%get3A_31], %broadcast_in_dim3A_12 masked %eq3A_45 {add = true} : memref<32768xi32, #tpu.memory_space<vmem>>[vector<16xi32>], vector<16xi32>, vector<16xi1>
        %eq3A_46 = arith.constant 5 : i32
        %eq3A_47 = vector.broadcast %eq3A_46 : i32 to vector<16xi32>
        %eq3A_48 = arith.cmpi eq, %iota3A, %eq3A_47 : vector<16xi32>
        tpu.vector_store_idx %arg5[%get3A_31], %broadcast_in_dim3A_12 masked %eq3A_48 {add = true} : memref<32768xi32, #tpu.memory_space<vmem>>[vector<16xi32>], vector<16xi32>, vector<16xi1>
        %eq3A_49 = arith.constant 6 : i32
        %eq3A_50 = vector.broadcast %eq3A_49 : i32 to vector<16xi32>
        %eq3A_51 = arith.cmpi eq, %iota3A, %eq3A_50 : vector<16xi32>
        tpu.vector_store_idx %arg5[%get3A_31], %broadcast_in_dim3A_12 masked %eq3A_51 {add = true} : memref<32768xi32, #tpu.memory_space<vmem>>[vector<16xi32>], vector<16xi32>, vector<16xi1>
        %eq3A_52 = arith.constant 7 : i32
        %eq3A_53 = vector.broadcast %eq3A_52 : i32 to vector<16xi32>
        %eq3A_54 = arith.cmpi eq, %iota3A, %eq3A_53 : vector<16xi32>
        tpu.vector_store_idx %arg5[%get3A_31], %broadcast_in_dim3A_12 masked %eq3A_54 {add = true} : memref<32768xi32, #tpu.memory_space<vmem>>[vector<16xi32>], vector<16xi32>, vector<16xi1>
        %eq3A_55 = arith.constant 8 : i32
        %eq3A_56 = vector.broadcast %eq3A_55 : i32 to vector<16xi32>
        %eq3A_57 = arith.cmpi eq, %iota3A, %eq3A_56 : vector<16xi32>
        tpu.vector_store_idx %arg5[%get3A_31], %broadcast_in_dim3A_12 masked %eq3A_57 {add = true} : memref<32768xi32, #tpu.memory_space<vmem>>[vector<16xi32>], vector<16xi32>, vector<16xi1>
        %eq3A_58 = arith.constant 9 : i32
        %eq3A_59 = vector.broadcast %eq3A_58 : i32 to vector<16xi32>
        %eq3A_60 = arith.cmpi eq, %iota3A, %eq3A_59 : vector<16xi32>
        tpu.vector_store_idx %arg5[%get3A_31], %broadcast_in_dim3A_12 masked %eq3A_60 {add = true} : memref<32768xi32, #tpu.memory_space<vmem>>[vector<16xi32>], vector<16xi32>, vector<16xi1>
        %eq3A_61 = arith.constant 10 : i32
        %eq3A_62 = vector.broadcast %eq3A_61 : i32 to vector<16xi32>
        %eq3A_63 = arith.cmpi eq, %iota3A, %eq3A_62 : vector<16xi32>
        tpu.vector_store_idx %arg5[%get3A_31], %broadcast_in_dim3A_12 masked %eq3A_63 {add = true} : memref<32768xi32, #tpu.memory_space<vmem>>[vector<16xi32>], vector<16xi32>, vector<16xi1>
        %eq3A_64 = arith.constant 11 : i32
        %eq3A_65 = vector.broadcast %eq3A_64 : i32 to vector<16xi32>
        %eq3A_66 = arith.cmpi eq, %iota3A, %eq3A_65 : vector<16xi32>
        tpu.vector_store_idx %arg5[%get3A_31], %broadcast_in_dim3A_12 masked %eq3A_66 {add = true} : memref<32768xi32, #tpu.memory_space<vmem>>[vector<16xi32>], vector<16xi32>, vector<16xi1>
        %eq3A_67 = arith.constant 12 : i32
        %eq3A_68 = vector.broadcast %eq3A_67 : i32 to vector<16xi32>
        %eq3A_69 = arith.cmpi eq, %iota3A, %eq3A_68 : vector<16xi32>
        tpu.vector_store_idx %arg5[%get3A_31], %broadcast_in_dim3A_12 masked %eq3A_69 {add = true} : memref<32768xi32, #tpu.memory_space<vmem>>[vector<16xi32>], vector<16xi32>, vector<16xi1>
        %eq3A_70 = arith.constant 13 : i32
        %eq3A_71 = vector.broadcast %eq3A_70 : i32 to vector<16xi32>
        %eq3A_72 = arith.cmpi eq, %iota3A, %eq3A_71 : vector<16xi32>
        tpu.vector_store_idx %arg5[%get3A_31], %broadcast_in_dim3A_12 masked %eq3A_72 {add = true} : memref<32768xi32, #tpu.memory_space<vmem>>[vector<16xi32>], vector<16xi32>, vector<16xi1>
        %eq3A_73 = arith.constant 14 : i32
        %eq3A_74 = vector.broadcast %eq3A_73 : i32 to vector<16xi32>
        %eq3A_75 = arith.cmpi eq, %iota3A, %eq3A_74 : vector<16xi32>
        tpu.vector_store_idx %arg5[%get3A_31], %broadcast_in_dim3A_12 masked %eq3A_75 {add = true} : memref<32768xi32, #tpu.memory_space<vmem>>[vector<16xi32>], vector<16xi32>, vector<16xi1>
        %eq3A_76 = arith.constant 15 : i32
        %eq3A_77 = vector.broadcast %eq3A_76 : i32 to vector<16xi32>
        %eq3A_78 = arith.cmpi eq, %iota3A, %eq3A_77 : vector<16xi32>
        tpu.vector_store_idx %arg5[%get3A_31], %broadcast_in_dim3A_12 masked %eq3A_78 {add = true} : memref<32768xi32, #tpu.memory_space<vmem>>[vector<16xi32>], vector<16xi32>, vector<16xi1>
      }
      %scan3A_18 = arith.constant 2048 : i32
      %scan3A_19 = arith.constant 0 : i32
      %scan3A_20 = arith.constant 0 : i32
      %scan3A_21 = arith.constant 2048 : i32
      %scan3A_22 = arith.addi %scan3A_20, %scan3A_21 : i32
      %scan3A_23 = arith.constant 1 : i32
      %scan3A_24 = scf.for %scan3A_28 = %scan3A_20 to %scan3A_22 step %scan3A_23 iter_args(%scan3A_29 = %scan3A_19) -> (i32)  : i32 {
        %mul3A_30 = arith.constant 16 : i32
        %mul3A_31 = arith.muli %scan3A_28, %mul3A_30 : i32
        %get3A = arith.index_cast %mul3A_31 : i32 to index
        %get3A_32 = tpu.vector_load %arg5[%get3A] {strides = array<i32>} : memref<32768xi32, #tpu.memory_space<vmem>>, vector<16xi32>,
        %cumsum3A = arith.constant true
        %cumsum3A_33 = vector.broadcast %cumsum3A : i1 to vector<16xi1>
        %cumsum3A_34 = tpu.scan <sum>, %get3A_32 masked %cumsum3A_33 : vector<16xi32>, vector<16xi1> -> vector<16xi32>
        %add3A_35 = vector.broadcast %scan3A_29 : i32 to vector<16xi32>
        %add3A_36 = arith.addi %cumsum3A_34, %add3A_35 : vector<16xi32>
        %mul3A_37 = arith.constant 16 : i32
        %mul3A_38 = arith.muli %scan3A_28, %mul3A_37 : i32
        %swap3A = arith.index_cast %mul3A_38 : i32 to index
        %swap3A_39 = tpu.vector_load %arg4[%swap3A] {strides = array<i32>} : memref<32768xi32, #tpu.memory_space<vmem>>, vector<16xi32>,
        tpu.vector_store %arg4[%swap3A], %add3A_36 {strides = array<i32>} : memref<32768xi32, #tpu.memory_space<vmem>>, vector<16xi32>,
        %reduce_sum3A = arith.constant true
        %reduce_sum3A_40 = vector.broadcast %reduce_sum3A : i1 to vector<16xi1>
        %reduce_sum3A_41 = tpu.scan <sum>, %get3A_32 masked %reduce_sum3A_40 : vector<16xi32>, vector<16xi1> -> vector<16xi32>
        %reduce_sum3A_42 = vector.extract %reduce_sum3A_41[15] : i32 from vector<16xi32>
        %add3A_43 = arith.addi %scan3A_29, %reduce_sum3A_42 : i32
        scf.yield %add3A_43 : i32
      }
      %scan3A_25 = arith.constant 2048 : i32
      %mul3A_26 = arith.constant 32768 : i32
      %mul3A_27 = arith.muli %add3A, %mul3A_26 : i32
      "tpu.region"() ({
        %run_scoped3A = tpu.sem_alloc : memref<!tpu.dma_semaphore, #tpu.memory_space<semaphore_mem>>
        %dma_start3A = tpu.memref_slice %arg3[%mul3A_27] : memref<262144xi32, #tpu.memory_space<hbm>> -> memref<32768xi32, #tpu.memory_space<hbm>>
        %dma_start3A_28 = tpu.memref_slice %arg3[%mul3A_27] : memref<262144xi32, #tpu.memory_space<hbm>> -> memref<32768xi32, #tpu.memory_space<hbm>>
        tpu.enqueue_dma source(%arg4 : memref<32768xi32, #tpu.memory_space<vmem>>) target(%dma_start3A_28 : memref<32768xi32, #tpu.memory_space<hbm>>) target_semaphore(%run_scoped3A : memref<!tpu.dma_semaphore, #tpu.memory_space<semaphore_mem>>)
        %dma_wait3A = tpu.memref_slice %arg3[%mul3A_27] : memref<262144xi32, #tpu.memory_space<hbm>> -> memref<32768xi32, #tpu.memory_space<hbm>>
        %dma_wait3A_29 = tpu.memref_slice %arg3[%mul3A_27] : memref<262144xi32, #tpu.memory_space<hbm>> -> memref<32768xi32, #tpu.memory_space<hbm>>
        tpu.wait_dma2 semaphore(%run_scoped3A : memref<!tpu.dma_semaphore, #tpu.memory_space<semaphore_mem>>) src(%arg4 : memref<32768xi32, #tpu.memory_space<vmem>>) dst(%dma_wait3A_29 : memref<32768xi32, #tpu.memory_space<hbm>>)
        tpu.yield
      }) : () -> ()
    } else {
    }
    return
  }
}

#map = affine_map<(d0, d1) -> (0, 0)>
#map1 = affine_map<(d0, d1) -> (0)>
module attributes {stable_mosaic.version = 14 : i64} {
  func.func @_sc_gather(%arg0: i32, %arg1: i32, %arg2: memref<262144x64xf32, #tpu.memory_space<hbm>>, %arg3: memref<262144xi32, #tpu.memory_space<hbm>>, %arg4: memref<262144x64xf32, #tpu.memory_space<hbm>>, %arg5: memref<8192xi32, #tpu.memory_space<vmem>>, %arg6: memref<4x128xi32, #tpu.memory_space<vmem>>, %arg7: memref<4x128x64xf32, #tpu.memory_space<vmem>>, %arg8: memref<!tpu.dma_semaphore, #tpu.memory_space<semaphore_mem>>, %arg9: memref<!tpu.dma_semaphore, #tpu.memory_space<semaphore_mem>>, %arg10: memref<!tpu.dma_semaphore, #tpu.memory_space<semaphore_mem>>, %arg11: memref<!tpu.dma_semaphore, #tpu.memory_space<semaphore_mem>>, %arg12: memref<!tpu.dma_semaphore, #tpu.memory_space<semaphore_mem>>, %arg13: memref<!tpu.dma_semaphore, #tpu.memory_space<semaphore_mem>>, %arg14: memref<!tpu.dma_semaphore, #tpu.memory_space<semaphore_mem>>, %arg15: memref<!tpu.dma_semaphore, #tpu.memory_space<semaphore_mem>>) attributes {dimension_semantics = [#tpu.dimension_semantics<core_parallel>, #tpu.dimension_semantics<subcore_parallel>], iteration_bounds = array<i64: 2, 16>, scalar_prefetch = 0 : i64, scratch_operands = 11 : i64, tpu.core_type = #tpu.core_type<sc_vector_subcore>, window_params = [{transform_indices = #map}, {transform_indices = #map1}, {transform_indices = #map}]} {
    %mul3A = arith.constant 2 : i32
    %mul3A_0 = arith.muli %arg1, %mul3A : i32
    %add3A = arith.addi %mul3A_0, %arg0 : i32
    %jit3A = arith.constant 4 : i32
    %div3A = arith.divsi %add3A, %jit3A : i32
    %sign3A = arith.constant 0 : i32
    %sign3A_1 = arith.cmpi sgt, %add3A, %sign3A : i32
    %sign3A_2 = arith.extui %sign3A_1 : i1 to i32
    %sign3A_3 = arith.constant 0 : i32
    %sign3A_4 = arith.cmpi slt, %add3A, %sign3A_3 : i32
    %sign3A_5 = arith.extui %sign3A_4 : i1 to i32
    %sign3A_6 = arith.subi %sign3A_2, %sign3A_5 : i32
    %sign3A_7 = arith.constant 0 : i32
    %sign3A_8 = arith.cmpi sgt, %jit3A, %sign3A_7 : i32
    %sign3A_9 = arith.extui %sign3A_8 : i1 to i32
    %sign3A_10 = arith.constant 0 : i32
    %sign3A_11 = arith.cmpi slt, %jit3A, %sign3A_10 : i32
    %sign3A_12 = arith.extui %sign3A_11 : i1 to i32
    %sign3A_13 = arith.subi %sign3A_9, %sign3A_12 : i32
    %ne3A = arith.cmpi ne, %sign3A_6, %sign3A_13 : i32
    %rem3A = arith.remsi %add3A, %jit3A : i32
    %ne3A_14 = arith.constant 0 : i32
    %ne3A_15 = arith.cmpi ne, %rem3A, %ne3A_14 : i32
    %and3A = arith.andi %ne3A, %ne3A_15 : i1
    %sub3A = arith.constant 1 : i32
    %sub3A_16 = arith.subi %div3A, %sub3A : i32
    %select_n3A = arith.select %and3A, %sub3A_16, %div3A : i32
    %mul3A_17 = arith.constant 8192 : i32
    %mul3A_18 = arith.muli %add3A, %mul3A_17 : i32
    "tpu.region"() ({
      %run_scoped3A = tpu.sem_alloc : memref<!tpu.dma_semaphore, #tpu.memory_space<semaphore_mem>>
      %dma_start3A = tpu.memref_slice %arg3[%mul3A_18] : memref<262144xi32, #tpu.memory_space<hbm>> -> memref<8192xi32, #tpu.memory_space<hbm>>
      %dma_start3A_85 = tpu.memref_slice %arg3[%mul3A_18] : memref<262144xi32, #tpu.memory_space<hbm>> -> memref<8192xi32, #tpu.memory_space<hbm>>
      tpu.enqueue_dma source(%dma_start3A_85 : memref<8192xi32, #tpu.memory_space<hbm>>) target(%arg5 : memref<8192xi32, #tpu.memory_space<vmem>>) target_semaphore(%run_scoped3A : memref<!tpu.dma_semaphore, #tpu.memory_space<semaphore_mem>>)
      %dma_wait3A_86 = tpu.memref_slice %arg3[%mul3A_18] : memref<262144xi32, #tpu.memory_space<hbm>> -> memref<8192xi32, #tpu.memory_space<hbm>>
      %dma_wait3A_87 = tpu.memref_slice %arg3[%mul3A_18] : memref<262144xi32, #tpu.memory_space<hbm>> -> memref<8192xi32, #tpu.memory_space<hbm>>
      tpu.wait_dma2 semaphore(%run_scoped3A : memref<!tpu.dma_semaphore, #tpu.memory_space<semaphore_mem>>) src(%dma_wait3A_87 : memref<8192xi32, #tpu.memory_space<hbm>>) dst(%arg5 : memref<8192xi32, #tpu.memory_space<vmem>>)
      tpu.yield
    }) : () -> ()
    %mul3A_19 = arith.constant 32768 : i32
    %mul3A_20 = arith.muli %select_n3A, %mul3A_19 : i32
    %scan3A = arith.constant 0 : i32
    %scan3A_21 = arith.constant 0 : i32
    %scan3A_22 = arith.constant 16 : i32
    %scan3A_23 = arith.addi %scan3A_21, %scan3A_22 : i32
    %scan3A_24 = arith.constant 1 : i32
    scf.for %scan3A_85 = %scan3A_21 to %scan3A_23 step %scan3A_24  : i32 {
      %mul3A_86 = arith.constant 4 : i32
      %mul3A_87 = arith.muli %scan3A_85, %mul3A_86 : i32
      %add3A_88 = arith.constant 0 : i32
      %add3A_89 = arith.addi %mul3A_87, %add3A_88 : i32
      %gt3A = arith.constant 0 : i32
      %gt3A_90 = arith.cmpi sgt, %scan3A_85, %gt3A : i32
      %convert_element_type3A = arith.extui %gt3A_90 : i1 to i32
      %cond3A = arith.constant 0 : i32
      %cond3A_91 = arith.cmpi ne, %convert_element_type3A, %cond3A : i32
      scf.if %cond3A_91 {
        %sub3A_318 = arith.constant 4 : i32
        %sub3A_319 = arith.subi %add3A_89, %sub3A_318 : i32
        %mul3A_320 = arith.constant 128 : i32
        %mul3A_321 = arith.muli %sub3A_319, %mul3A_320 : i32
        %add3A_322 = arith.addi %mul3A_18, %mul3A_321 : i32
        %dma_wait3A_323 = arith.constant 0 : i32
        %dma_wait3A_324 = arith.constant 0 : i32
        %dma_wait3A_325 = arith.constant 0 : i32
        %dma_wait3A_326 = tpu.memref_slice %arg7[%dma_wait3A_323, %dma_wait3A_324, %dma_wait3A_325] : memref<4x128x64xf32, #tpu.memory_space<vmem>> -> memref<1x128x64xf32, #tpu.memory_space<vmem>>
        %dma_wait3A_327 = tpu.memref_squeeze %dma_wait3A_326 : memref<1x128x64xf32, #tpu.memory_space<vmem>> -> memref<128x64xf32, #tpu.memory_space<vmem>>
        %dma_wait3A_328 = arith.constant 0 : i32
        %dma_wait3A_329 = tpu.memref_slice %arg4[%add3A_322, %dma_wait3A_328] : memref<262144x64xf32, #tpu.memory_space<hbm>> -> memref<128x64xf32, #tpu.memory_space<hbm>>
        %dma_wait3A_330 = arith.constant 0 : i32
        %dma_wait3A_331 = tpu.memref_slice %arg4[%add3A_322, %dma_wait3A_330] : memref<262144x64xf32, #tpu.memory_space<hbm>> -> memref<128x64xf32, #tpu.memory_space<hbm>>
        %dma_wait3A_332 = arith.constant 0 : i32
        %dma_wait3A_333 = arith.constant 0 : i32
        %dma_wait3A_334 = tpu.memref_slice %arg7[%dma_wait3A_323, %dma_wait3A_332, %dma_wait3A_333] : memref<4x128x64xf32, #tpu.memory_space<vmem>> -> memref<1x128x64xf32, #tpu.memory_space<vmem>>
        %dma_wait3A_335 = tpu.memref_squeeze %dma_wait3A_334 : memref<1x128x64xf32, #tpu.memory_space<vmem>> -> memref<128x64xf32, #tpu.memory_space<vmem>>
        tpu.wait_dma2 semaphore(%arg12 : memref<!tpu.dma_semaphore, #tpu.memory_space<semaphore_mem>>) src(%dma_wait3A_335 : memref<128x64xf32, #tpu.memory_space<vmem>>) dst(%dma_wait3A_331 : memref<128x64xf32, #tpu.memory_space<hbm>>)
      } else {
      }
      %scan3A_92 = arith.constant 0 : i32
      %scan3A_93 = arith.constant 0 : i32
      %scan3A_94 = arith.constant 8 : i32
      %scan3A_95 = arith.addi %scan3A_93, %scan3A_94 : i32
      %scan3A_96 = arith.constant 1 : i32
      scf.for %scan3A_318 = %scan3A_93 to %scan3A_95 step %scan3A_96  : i32 {
        %mul3A_319 = arith.constant 128 : i32
        %mul3A_320 = arith.muli %add3A_89, %mul3A_319 : i32
        %mul3A_321 = arith.constant 16 : i32
        %mul3A_322 = arith.muli %scan3A_318, %mul3A_321 : i32
        %add3A_323 = arith.addi %mul3A_320, %mul3A_322 : i32
        %get3A = arith.index_cast %add3A_323 : i32 to index
        %get3A_324 = tpu.vector_load %arg5[%get3A] {strides = array<i32>} : memref<8192xi32, #tpu.memory_space<vmem>>, vector<16xi32>,
        %sub3A_325 = arith.constant 1 : i32
        %sub3A_326 = vector.broadcast %sub3A_325 : i32 to vector<16xi32>
        %sub3A_327 = arith.subi %get3A_324, %sub3A_326 : vector<16xi32>
        %max3A = arith.constant 0 : i32
        %max3A_328 = vector.broadcast %max3A : i32 to vector<16xi32>
        %max3A_329 = arith.maxsi %sub3A_327, %max3A_328 : vector<16xi32>
        %add3A_330 = vector.broadcast %mul3A_20 : i32 to vector<16xi32>
        %add3A_331 = arith.addi %max3A_329, %add3A_330 : vector<16xi32>
        %mul3A_332 = arith.constant 16 : i32
        %mul3A_333 = arith.muli %scan3A_318, %mul3A_332 : i32
        %swap3A = arith.constant 0 : i32
        %swap3A_334 = arith.index_cast %swap3A : i32 to index
        %swap3A_335 = arith.index_cast %mul3A_333 : i32 to index
        %swap3A_336 = tpu.vector_load %arg6[%swap3A_334, %swap3A_335] {strides = array<i32>} : memref<4x128xi32, #tpu.memory_space<vmem>>, vector<16xi32>,
        tpu.vector_store %arg6[%swap3A_334, %swap3A_335], %add3A_331 {strides = array<i32>} : memref<4x128xi32, #tpu.memory_space<vmem>>, vector<16xi32>,
      }
      %scan3A_97 = arith.constant 8 : i32
      %dma_start3A = arith.constant 0 : i32
      %dma_start3A_98 = arith.constant 0 : i32
      %dma_start3A_99 = arith.constant 0 : i32
      %dma_start3A_100 = arith.constant 0 : i32
      %dma_start3A_101 = tpu.memref_slice %arg7[%dma_start3A_98, %dma_start3A_99, %dma_start3A_100] : memref<4x128x64xf32, #tpu.memory_space<vmem>> -> memref<1x128x64xf32, #tpu.memory_space<vmem>>
      %dma_start3A_102 = tpu.memref_squeeze %dma_start3A_101 : memref<1x128x64xf32, #tpu.memory_space<vmem>> -> memref<128x64xf32, #tpu.memory_space<vmem>>
      %dma_start3A_103 = arith.constant 0 : i32
      %dma_start3A_104 = tpu.memref_slice %arg6[%dma_start3A, %dma_start3A_103] : memref<4x128xi32, #tpu.memory_space<vmem>> -> memref<1x128xi32, #tpu.memory_space<vmem>>
      %dma_start3A_105 = tpu.memref_squeeze %dma_start3A_104 : memref<1x128xi32, #tpu.memory_space<vmem>> -> memref<128xi32, #tpu.memory_space<vmem>>
      %dma_start3A_106 = arith.constant 0 : i32
      %dma_start3A_107 = arith.constant 0 : i32
      %dma_start3A_108 = tpu.memref_slice %arg2[%dma_start3A_106, %dma_start3A_107] : memref<262144x64xf32, #tpu.memory_space<hbm>> -> memref<262144x64xf32, #tpu.memory_space<hbm>>
      tpu.enqueue_indirect_dma source(%dma_start3A_108 : memref<262144x64xf32, #tpu.memory_space<hbm>>) target(%dma_start3A_102 : memref<128x64xf32, #tpu.memory_space<vmem>>) offsets(%dma_start3A_105 : memref<128xi32, #tpu.memory_space<vmem>>) semaphore(%arg8 : memref<!tpu.dma_semaphore, #tpu.memory_space<semaphore_mem>>)
      %mul3A_109 = arith.constant 4 : i32
      %mul3A_110 = arith.muli %scan3A_85, %mul3A_109 : i32
      %add3A_111 = arith.constant 1 : i32
      %add3A_112 = arith.addi %mul3A_110, %add3A_111 : i32
      %gt3A_113 = arith.constant 0 : i32
      %gt3A_114 = arith.cmpi sgt, %scan3A_85, %gt3A_113 : i32
      %convert_element_type3A_115 = arith.extui %gt3A_114 : i1 to i32
      %cond3A_116 = arith.constant 0 : i32
      %cond3A_117 = arith.cmpi ne, %convert_element_type3A_115, %cond3A_116 : i32
      scf.if %cond3A_117 {
        %sub3A_318 = arith.constant 4 : i32
        %sub3A_319 = arith.subi %add3A_112, %sub3A_318 : i32
        %mul3A_320 = arith.constant 128 : i32
        %mul3A_321 = arith.muli %sub3A_319, %mul3A_320 : i32
        %add3A_322 = arith.addi %mul3A_18, %mul3A_321 : i32
        %dma_wait3A_323 = arith.constant 1 : i32
        %dma_wait3A_324 = arith.constant 0 : i32
        %dma_wait3A_325 = arith.constant 0 : i32
        %dma_wait3A_326 = tpu.memref_slice %arg7[%dma_wait3A_323, %dma_wait3A_324, %dma_wait3A_325] : memref<4x128x64xf32, #tpu.memory_space<vmem>> -> memref<1x128x64xf32, #tpu.memory_space<vmem>>
        %dma_wait3A_327 = tpu.memref_squeeze %dma_wait3A_326 : memref<1x128x64xf32, #tpu.memory_space<vmem>> -> memref<128x64xf32, #tpu.memory_space<vmem>>
        %dma_wait3A_328 = arith.constant 0 : i32
        %dma_wait3A_329 = tpu.memref_slice %arg4[%add3A_322, %dma_wait3A_328] : memref<262144x64xf32, #tpu.memory_space<hbm>> -> memref<128x64xf32, #tpu.memory_space<hbm>>
        %dma_wait3A_330 = arith.constant 0 : i32
        %dma_wait3A_331 = tpu.memref_slice %arg4[%add3A_322, %dma_wait3A_330] : memref<262144x64xf32, #tpu.memory_space<hbm>> -> memref<128x64xf32, #tpu.memory_space<hbm>>
        %dma_wait3A_332 = arith.constant 0 : i32
        %dma_wait3A_333 = arith.constant 0 : i32
        %dma_wait3A_334 = tpu.memref_slice %arg7[%dma_wait3A_323, %dma_wait3A_332, %dma_wait3A_333] : memref<4x128x64xf32, #tpu.memory_space<vmem>> -> memref<1x128x64xf32, #tpu.memory_space<vmem>>
        %dma_wait3A_335 = tpu.memref_squeeze %dma_wait3A_334 : memref<1x128x64xf32, #tpu.memory_space<vmem>> -> memref<128x64xf32, #tpu.memory_space<vmem>>
        tpu.wait_dma2 semaphore(%arg13 : memref<!tpu.dma_semaphore, #tpu.memory_space<semaphore_mem>>) src(%dma_wait3A_335 : memref<128x64xf32, #tpu.memory_space<vmem>>) dst(%dma_wait3A_331 : memref<128x64xf32, #tpu.memory_space<hbm>>)
      } else {
      }
      %scan3A_118 = arith.constant 0 : i32
      %scan3A_119 = arith.constant 0 : i32
      %scan3A_120 = arith.constant 8 : i32
      %scan3A_121 = arith.addi %scan3A_119, %scan3A_120 : i32
      %scan3A_122 = arith.constant 1 : i32
      scf.for %scan3A_318 = %scan3A_119 to %scan3A_121 step %scan3A_122  : i32 {
        %mul3A_319 = arith.constant 128 : i32
        %mul3A_320 = arith.muli %add3A_112, %mul3A_319 : i32
        %mul3A_321 = arith.constant 16 : i32
        %mul3A_322 = arith.muli %scan3A_318, %mul3A_321 : i32
        %add3A_323 = arith.addi %mul3A_320, %mul3A_322 : i32
        %get3A = arith.index_cast %add3A_323 : i32 to index
        %get3A_324 = tpu.vector_load %arg5[%get3A] {strides = array<i32>} : memref<8192xi32, #tpu.memory_space<vmem>>, vector<16xi32>,
        %sub3A_325 = arith.constant 1 : i32
        %sub3A_326 = vector.broadcast %sub3A_325 : i32 to vector<16xi32>
        %sub3A_327 = arith.subi %get3A_324, %sub3A_326 : vector<16xi32>
        %max3A = arith.constant 0 : i32
        %max3A_328 = vector.broadcast %max3A : i32 to vector<16xi32>
        %max3A_329 = arith.maxsi %sub3A_327, %max3A_328 : vector<16xi32>
        %add3A_330 = vector.broadcast %mul3A_20 : i32 to vector<16xi32>
        %add3A_331 = arith.addi %max3A_329, %add3A_330 : vector<16xi32>
        %mul3A_332 = arith.constant 16 : i32
        %mul3A_333 = arith.muli %scan3A_318, %mul3A_332 : i32
        %swap3A = arith.constant 1 : i32
        %swap3A_334 = arith.index_cast %swap3A : i32 to index
        %swap3A_335 = arith.index_cast %mul3A_333 : i32 to index
        %swap3A_336 = tpu.vector_load %arg6[%swap3A_334, %swap3A_335] {strides = array<i32>} : memref<4x128xi32, #tpu.memory_space<vmem>>, vector<16xi32>,
        tpu.vector_store %arg6[%swap3A_334, %swap3A_335], %add3A_331 {strides = array<i32>} : memref<4x128xi32, #tpu.memory_space<vmem>>, vector<16xi32>,
      }
      %scan3A_123 = arith.constant 8 : i32
      %dma_start3A_124 = arith.constant 1 : i32
      %dma_start3A_125 = arith.constant 1 : i32
      %dma_start3A_126 = arith.constant 0 : i32
      %dma_start3A_127 = arith.constant 0 : i32
      %dma_start3A_128 = tpu.memref_slice %arg7[%dma_start3A_125, %dma_start3A_126, %dma_start3A_127] : memref<4x128x64xf32, #tpu.memory_space<vmem>> -> memref<1x128x64xf32, #tpu.memory_space<vmem>>
      %dma_start3A_129 = tpu.memref_squeeze %dma_start3A_128 : memref<1x128x64xf32, #tpu.memory_space<vmem>> -> memref<128x64xf32, #tpu.memory_space<vmem>>
      %dma_start3A_130 = arith.constant 0 : i32
      %dma_start3A_131 = tpu.memref_slice %arg6[%dma_start3A_124, %dma_start3A_130] : memref<4x128xi32, #tpu.memory_space<vmem>> -> memref<1x128xi32, #tpu.memory_space<vmem>>
      %dma_start3A_132 = tpu.memref_squeeze %dma_start3A_131 : memref<1x128xi32, #tpu.memory_space<vmem>> -> memref<128xi32, #tpu.memory_space<vmem>>
      %dma_start3A_133 = arith.constant 0 : i32
      %dma_start3A_134 = arith.constant 0 : i32
      %dma_start3A_135 = tpu.memref_slice %arg2[%dma_start3A_133, %dma_start3A_134] : memref<262144x64xf32, #tpu.memory_space<hbm>> -> memref<262144x64xf32, #tpu.memory_space<hbm>>
      tpu.enqueue_indirect_dma source(%dma_start3A_135 : memref<262144x64xf32, #tpu.memory_space<hbm>>) target(%dma_start3A_129 : memref<128x64xf32, #tpu.memory_space<vmem>>) offsets(%dma_start3A_132 : memref<128xi32, #tpu.memory_space<vmem>>) semaphore(%arg9 : memref<!tpu.dma_semaphore, #tpu.memory_space<semaphore_mem>>)
      %mul3A_136 = arith.constant 4 : i32
      %mul3A_137 = arith.muli %scan3A_85, %mul3A_136 : i32
      %add3A_138 = arith.constant 2 : i32
      %add3A_139 = arith.addi %mul3A_137, %add3A_138 : i32
      %gt3A_140 = arith.constant 0 : i32
      %gt3A_141 = arith.cmpi sgt, %scan3A_85, %gt3A_140 : i32
      %convert_element_type3A_142 = arith.extui %gt3A_141 : i1 to i32
      %cond3A_143 = arith.constant 0 : i32
      %cond3A_144 = arith.cmpi ne, %convert_element_type3A_142, %cond3A_143 : i32
      scf.if %cond3A_144 {
        %sub3A_318 = arith.constant 4 : i32
        %sub3A_319 = arith.subi %add3A_139, %sub3A_318 : i32
        %mul3A_320 = arith.constant 128 : i32
        %mul3A_321 = arith.muli %sub3A_319, %mul3A_320 : i32
        %add3A_322 = arith.addi %mul3A_18, %mul3A_321 : i32
        %dma_wait3A_323 = arith.constant 2 : i32
        %dma_wait3A_324 = arith.constant 0 : i32
        %dma_wait3A_325 = arith.constant 0 : i32
        %dma_wait3A_326 = tpu.memref_slice %arg7[%dma_wait3A_323, %dma_wait3A_324, %dma_wait3A_325] : memref<4x128x64xf32, #tpu.memory_space<vmem>> -> memref<1x128x64xf32, #tpu.memory_space<vmem>>
        %dma_wait3A_327 = tpu.memref_squeeze %dma_wait3A_326 : memref<1x128x64xf32, #tpu.memory_space<vmem>> -> memref<128x64xf32, #tpu.memory_space<vmem>>
        %dma_wait3A_328 = arith.constant 0 : i32
        %dma_wait3A_329 = tpu.memref_slice %arg4[%add3A_322, %dma_wait3A_328] : memref<262144x64xf32, #tpu.memory_space<hbm>> -> memref<128x64xf32, #tpu.memory_space<hbm>>
        %dma_wait3A_330 = arith.constant 0 : i32
        %dma_wait3A_331 = tpu.memref_slice %arg4[%add3A_322, %dma_wait3A_330] : memref<262144x64xf32, #tpu.memory_space<hbm>> -> memref<128x64xf32, #tpu.memory_space<hbm>>
        %dma_wait3A_332 = arith.constant 0 : i32
        %dma_wait3A_333 = arith.constant 0 : i32
        %dma_wait3A_334 = tpu.memref_slice %arg7[%dma_wait3A_323, %dma_wait3A_332, %dma_wait3A_333] : memref<4x128x64xf32, #tpu.memory_space<vmem>> -> memref<1x128x64xf32, #tpu.memory_space<vmem>>
        %dma_wait3A_335 = tpu.memref_squeeze %dma_wait3A_334 : memref<1x128x64xf32, #tpu.memory_space<vmem>> -> memref<128x64xf32, #tpu.memory_space<vmem>>
        tpu.wait_dma2 semaphore(%arg14 : memref<!tpu.dma_semaphore, #tpu.memory_space<semaphore_mem>>) src(%dma_wait3A_335 : memref<128x64xf32, #tpu.memory_space<vmem>>) dst(%dma_wait3A_331 : memref<128x64xf32, #tpu.memory_space<hbm>>)
      } else {
      }
      %scan3A_145 = arith.constant 0 : i32
      %scan3A_146 = arith.constant 0 : i32
      %scan3A_147 = arith.constant 8 : i32
      %scan3A_148 = arith.addi %scan3A_146, %scan3A_147 : i32
      %scan3A_149 = arith.constant 1 : i32
      scf.for %scan3A_318 = %scan3A_146 to %scan3A_148 step %scan3A_149  : i32 {
        %mul3A_319 = arith.constant 128 : i32
        %mul3A_320 = arith.muli %add3A_139, %mul3A_319 : i32
        %mul3A_321 = arith.constant 16 : i32
        %mul3A_322 = arith.muli %scan3A_318, %mul3A_321 : i32
        %add3A_323 = arith.addi %mul3A_320, %mul3A_322 : i32
        %get3A = arith.index_cast %add3A_323 : i32 to index
        %get3A_324 = tpu.vector_load %arg5[%get3A] {strides = array<i32>} : memref<8192xi32, #tpu.memory_space<vmem>>, vector<16xi32>,
        %sub3A_325 = arith.constant 1 : i32
        %sub3A_326 = vector.broadcast %sub3A_325 : i32 to vector<16xi32>
        %sub3A_327 = arith.subi %get3A_324, %sub3A_326 : vector<16xi32>
        %max3A = arith.constant 0 : i32
        %max3A_328 = vector.broadcast %max3A : i32 to vector<16xi32>
        %max3A_329 = arith.maxsi %sub3A_327, %max3A_328 : vector<16xi32>
        %add3A_330 = vector.broadcast %mul3A_20 : i32 to vector<16xi32>
        %add3A_331 = arith.addi %max3A_329, %add3A_330 : vector<16xi32>
        %mul3A_332 = arith.constant 16 : i32
        %mul3A_333 = arith.muli %scan3A_318, %mul3A_332 : i32
        %swap3A = arith.constant 2 : i32
        %swap3A_334 = arith.index_cast %swap3A : i32 to index
        %swap3A_335 = arith.index_cast %mul3A_333 : i32 to index
        %swap3A_336 = tpu.vector_load %arg6[%swap3A_334, %swap3A_335] {strides = array<i32>} : memref<4x128xi32, #tpu.memory_space<vmem>>, vector<16xi32>,
        tpu.vector_store %arg6[%swap3A_334, %swap3A_335], %add3A_331 {strides = array<i32>} : memref<4x128xi32, #tpu.memory_space<vmem>>, vector<16xi32>,
      }
      %scan3A_150 = arith.constant 8 : i32
      %dma_start3A_151 = arith.constant 2 : i32
      %dma_start3A_152 = arith.constant 2 : i32
      %dma_start3A_153 = arith.constant 0 : i32
      %dma_start3A_154 = arith.constant 0 : i32
      %dma_start3A_155 = tpu.memref_slice %arg7[%dma_start3A_152, %dma_start3A_153, %dma_start3A_154] : memref<4x128x64xf32, #tpu.memory_space<vmem>> -> memref<1x128x64xf32, #tpu.memory_space<vmem>>
      %dma_start3A_156 = tpu.memref_squeeze %dma_start3A_155 : memref<1x128x64xf32, #tpu.memory_space<vmem>> -> memref<128x64xf32, #tpu.memory_space<vmem>>
      %dma_start3A_157 = arith.constant 0 : i32
      %dma_start3A_158 = tpu.memref_slice %arg6[%dma_start3A_151, %dma_start3A_157] : memref<4x128xi32, #tpu.memory_space<vmem>> -> memref<1x128xi32, #tpu.memory_space<vmem>>
      %dma_start3A_159 = tpu.memref_squeeze %dma_start3A_158 : memref<1x128xi32, #tpu.memory_space<vmem>> -> memref<128xi32, #tpu.memory_space<vmem>>
      %dma_start3A_160 = arith.constant 0 : i32
      %dma_start3A_161 = arith.constant 0 : i32
      %dma_start3A_162 = tpu.memref_slice %arg2[%dma_start3A_160, %dma_start3A_161] : memref<262144x64xf32, #tpu.memory_space<hbm>> -> memref<262144x64xf32, #tpu.memory_space<hbm>>
      tpu.enqueue_indirect_dma source(%dma_start3A_162 : memref<262144x64xf32, #tpu.memory_space<hbm>>) target(%dma_start3A_156 : memref<128x64xf32, #tpu.memory_space<vmem>>) offsets(%dma_start3A_159 : memref<128xi32, #tpu.memory_space<vmem>>) semaphore(%arg10 : memref<!tpu.dma_semaphore, #tpu.memory_space<semaphore_mem>>)
      %mul3A_163 = arith.constant 4 : i32
      %mul3A_164 = arith.muli %scan3A_85, %mul3A_163 : i32
      %add3A_165 = arith.constant 3 : i32
      %add3A_166 = arith.addi %mul3A_164, %add3A_165 : i32
      %gt3A_167 = arith.constant 0 : i32
      %gt3A_168 = arith.cmpi sgt, %scan3A_85, %gt3A_167 : i32
      %convert_element_type3A_169 = arith.extui %gt3A_168 : i1 to i32
      %cond3A_170 = arith.constant 0 : i32
      %cond3A_171 = arith.cmpi ne, %convert_element_type3A_169, %cond3A_170 : i32
      scf.if %cond3A_171 {
        %sub3A_318 = arith.constant 4 : i32
        %sub3A_319 = arith.subi %add3A_166, %sub3A_318 : i32
        %mul3A_320 = arith.constant 128 : i32
        %mul3A_321 = arith.muli %sub3A_319, %mul3A_320 : i32
        %add3A_322 = arith.addi %mul3A_18, %mul3A_321 : i32
        %dma_wait3A_323 = arith.constant 3 : i32
        %dma_wait3A_324 = arith.constant 0 : i32
        %dma_wait3A_325 = arith.constant 0 : i32
        %dma_wait3A_326 = tpu.memref_slice %arg7[%dma_wait3A_323, %dma_wait3A_324, %dma_wait3A_325] : memref<4x128x64xf32, #tpu.memory_space<vmem>> -> memref<1x128x64xf32, #tpu.memory_space<vmem>>
        %dma_wait3A_327 = tpu.memref_squeeze %dma_wait3A_326 : memref<1x128x64xf32, #tpu.memory_space<vmem>> -> memref<128x64xf32, #tpu.memory_space<vmem>>
        %dma_wait3A_328 = arith.constant 0 : i32
        %dma_wait3A_329 = tpu.memref_slice %arg4[%add3A_322, %dma_wait3A_328] : memref<262144x64xf32, #tpu.memory_space<hbm>> -> memref<128x64xf32, #tpu.memory_space<hbm>>
        %dma_wait3A_330 = arith.constant 0 : i32
        %dma_wait3A_331 = tpu.memref_slice %arg4[%add3A_322, %dma_wait3A_330] : memref<262144x64xf32, #tpu.memory_space<hbm>> -> memref<128x64xf32, #tpu.memory_space<hbm>>
        %dma_wait3A_332 = arith.constant 0 : i32
        %dma_wait3A_333 = arith.constant 0 : i32
        %dma_wait3A_334 = tpu.memref_slice %arg7[%dma_wait3A_323, %dma_wait3A_332, %dma_wait3A_333] : memref<4x128x64xf32, #tpu.memory_space<vmem>> -> memref<1x128x64xf32, #tpu.memory_space<vmem>>
        %dma_wait3A_335 = tpu.memref_squeeze %dma_wait3A_334 : memref<1x128x64xf32, #tpu.memory_space<vmem>> -> memref<128x64xf32, #tpu.memory_space<vmem>>
        tpu.wait_dma2 semaphore(%arg15 : memref<!tpu.dma_semaphore, #tpu.memory_space<semaphore_mem>>) src(%dma_wait3A_335 : memref<128x64xf32, #tpu.memory_space<vmem>>) dst(%dma_wait3A_331 : memref<128x64xf32, #tpu.memory_space<hbm>>)
      } else {
      }
      %scan3A_172 = arith.constant 0 : i32
      %scan3A_173 = arith.constant 0 : i32
      %scan3A_174 = arith.constant 8 : i32
      %scan3A_175 = arith.addi %scan3A_173, %scan3A_174 : i32
      %scan3A_176 = arith.constant 1 : i32
      scf.for %scan3A_318 = %scan3A_173 to %scan3A_175 step %scan3A_176  : i32 {
        %mul3A_319 = arith.constant 128 : i32
        %mul3A_320 = arith.muli %add3A_166, %mul3A_319 : i32
        %mul3A_321 = arith.constant 16 : i32
        %mul3A_322 = arith.muli %scan3A_318, %mul3A_321 : i32
        %add3A_323 = arith.addi %mul3A_320, %mul3A_322 : i32
        %get3A = arith.index_cast %add3A_323 : i32 to index
        %get3A_324 = tpu.vector_load %arg5[%get3A] {strides = array<i32>} : memref<8192xi32, #tpu.memory_space<vmem>>, vector<16xi32>,
        %sub3A_325 = arith.constant 1 : i32
        %sub3A_326 = vector.broadcast %sub3A_325 : i32 to vector<16xi32>
        %sub3A_327 = arith.subi %get3A_324, %sub3A_326 : vector<16xi32>
        %max3A = arith.constant 0 : i32
        %max3A_328 = vector.broadcast %max3A : i32 to vector<16xi32>
        %max3A_329 = arith.maxsi %sub3A_327, %max3A_328 : vector<16xi32>
        %add3A_330 = vector.broadcast %mul3A_20 : i32 to vector<16xi32>
        %add3A_331 = arith.addi %max3A_329, %add3A_330 : vector<16xi32>
        %mul3A_332 = arith.constant 16 : i32
        %mul3A_333 = arith.muli %scan3A_318, %mul3A_332 : i32
        %swap3A = arith.constant 3 : i32
        %swap3A_334 = arith.index_cast %swap3A : i32 to index
        %swap3A_335 = arith.index_cast %mul3A_333 : i32 to index
        %swap3A_336 = tpu.vector_load %arg6[%swap3A_334, %swap3A_335] {strides = array<i32>} : memref<4x128xi32, #tpu.memory_space<vmem>>, vector<16xi32>,
        tpu.vector_store %arg6[%swap3A_334, %swap3A_335], %add3A_331 {strides = array<i32>} : memref<4x128xi32, #tpu.memory_space<vmem>>, vector<16xi32>,
      }
      %scan3A_177 = arith.constant 8 : i32
      %dma_start3A_178 = arith.constant 3 : i32
      %dma_start3A_179 = arith.constant 3 : i32
      %dma_start3A_180 = arith.constant 0 : i32
      %dma_start3A_181 = arith.constant 0 : i32
      %dma_start3A_182 = tpu.memref_slice %arg7[%dma_start3A_179, %dma_start3A_180, %dma_start3A_181] : memref<4x128x64xf32, #tpu.memory_space<vmem>> -> memref<1x128x64xf32, #tpu.memory_space<vmem>>
      %dma_start3A_183 = tpu.memref_squeeze %dma_start3A_182 : memref<1x128x64xf32, #tpu.memory_space<vmem>> -> memref<128x64xf32, #tpu.memory_space<vmem>>
      %dma_start3A_184 = arith.constant 0 : i32
      %dma_start3A_185 = tpu.memref_slice %arg6[%dma_start3A_178, %dma_start3A_184] : memref<4x128xi32, #tpu.memory_space<vmem>> -> memref<1x128xi32, #tpu.memory_space<vmem>>
      %dma_start3A_186 = tpu.memref_squeeze %dma_start3A_185 : memref<1x128xi32, #tpu.memory_space<vmem>> -> memref<128xi32, #tpu.memory_space<vmem>>
      %dma_start3A_187 = arith.constant 0 : i32
      %dma_start3A_188 = arith.constant 0 : i32
      %dma_start3A_189 = tpu.memref_slice %arg2[%dma_start3A_187, %dma_start3A_188] : memref<262144x64xf32, #tpu.memory_space<hbm>> -> memref<262144x64xf32, #tpu.memory_space<hbm>>
      tpu.enqueue_indirect_dma source(%dma_start3A_189 : memref<262144x64xf32, #tpu.memory_space<hbm>>) target(%dma_start3A_183 : memref<128x64xf32, #tpu.memory_space<vmem>>) offsets(%dma_start3A_186 : memref<128xi32, #tpu.memory_space<vmem>>) semaphore(%arg11 : memref<!tpu.dma_semaphore, #tpu.memory_space<semaphore_mem>>)
      %mul3A_190 = arith.constant 4 : i32
      %mul3A_191 = arith.muli %scan3A_85, %mul3A_190 : i32
      %add3A_192 = arith.constant 0 : i32
      %add3A_193 = arith.addi %mul3A_191, %add3A_192 : i32
      %dma_wait3A_194 = arith.constant 0 : i32
      %dma_wait3A_195 = arith.constant 0 : i32
      %dma_wait3A_196 = arith.constant 0 : i32
      %dma_wait3A_197 = arith.constant 0 : i32
      %dma_wait3A_198 = tpu.memref_slice %arg7[%dma_wait3A_195, %dma_wait3A_196, %dma_wait3A_197] : memref<4x128x64xf32, #tpu.memory_space<vmem>> -> memref<1x128x64xf32, #tpu.memory_space<vmem>>
      %dma_wait3A_199 = tpu.memref_squeeze %dma_wait3A_198 : memref<1x128x64xf32, #tpu.memory_space<vmem>> -> memref<128x64xf32, #tpu.memory_space<vmem>>
      %dma_wait3A_200 = arith.constant 0 : i32
      %dma_wait3A_201 = tpu.memref_slice %arg6[%dma_wait3A_194, %dma_wait3A_200] : memref<4x128xi32, #tpu.memory_space<vmem>> -> memref<1x128xi32, #tpu.memory_space<vmem>>
      %dma_wait3A_202 = tpu.memref_squeeze %dma_wait3A_201 : memref<1x128xi32, #tpu.memory_space<vmem>> -> memref<128xi32, #tpu.memory_space<vmem>>
      %dma_wait3A_203 = arith.constant 0 : i32
      %dma_wait3A_204 = arith.constant 0 : i32
      %dma_wait3A_205 = tpu.memref_slice %arg2[%dma_wait3A_203, %dma_wait3A_204] : memref<262144x64xf32, #tpu.memory_space<hbm>> -> memref<262144x64xf32, #tpu.memory_space<hbm>>
      tpu.wait_indirect_dma semaphore(%arg8 : memref<!tpu.dma_semaphore, #tpu.memory_space<semaphore_mem>>) src(%dma_wait3A_205 : memref<262144x64xf32, #tpu.memory_space<hbm>>) dst(%dma_wait3A_199 : memref<128x64xf32, #tpu.memory_space<vmem>>)
      %mul3A_206 = arith.constant 128 : i32
      %mul3A_207 = arith.muli %add3A_193, %mul3A_206 : i32
      %add3A_208 = arith.addi %mul3A_18, %mul3A_207 : i32
      %dma_start3A_209 = arith.constant 0 : i32
      %dma_start3A_210 = arith.constant 0 : i32
      %dma_start3A_211 = arith.constant 0 : i32
      %dma_start3A_212 = tpu.memref_slice %arg7[%dma_start3A_209, %dma_start3A_210, %dma_start3A_211] : memref<4x128x64xf32, #tpu.memory_space<vmem>> -> memref<1x128x64xf32, #tpu.memory_space<vmem>>
      %dma_start3A_213 = tpu.memref_squeeze %dma_start3A_212 : memref<1x128x64xf32, #tpu.memory_space<vmem>> -> memref<128x64xf32, #tpu.memory_space<vmem>>
      %dma_start3A_214 = arith.constant 0 : i32
      %dma_start3A_215 = tpu.memref_slice %arg4[%add3A_208, %dma_start3A_214] : memref<262144x64xf32, #tpu.memory_space<hbm>> -> memref<128x64xf32, #tpu.memory_space<hbm>>
      %dma_start3A_216 = arith.constant 0 : i32
      %dma_start3A_217 = tpu.memref_slice %arg4[%add3A_208, %dma_start3A_216] : memref<262144x64xf32, #tpu.memory_space<hbm>> -> memref<128x64xf32, #tpu.memory_space<hbm>>
      %dma_start3A_218 = arith.constant 0 : i32
      %dma_start3A_219 = arith.constant 0 : i32
      %dma_start3A_220 = tpu.memref_slice %arg7[%dma_start3A_209, %dma_start3A_218, %dma_start3A_219] : memref<4x128x64xf32, #tpu.memory_space<vmem>> -> memref<1x128x64xf32, #tpu.memory_space<vmem>>
      %dma_start3A_221 = tpu.memref_squeeze %dma_start3A_220 : memref<1x128x64xf32, #tpu.memory_space<vmem>> -> memref<128x64xf32, #tpu.memory_space<vmem>>
      tpu.enqueue_dma source(%dma_start3A_221 : memref<128x64xf32, #tpu.memory_space<vmem>>) target(%dma_start3A_217 : memref<128x64xf32, #tpu.memory_space<hbm>>) target_semaphore(%arg12 : memref<!tpu.dma_semaphore, #tpu.memory_space<semaphore_mem>>)
      %mul3A_222 = arith.constant 4 : i32
      %mul3A_223 = arith.muli %scan3A_85, %mul3A_222 : i32
      %add3A_224 = arith.constant 1 : i32
      %add3A_225 = arith.addi %mul3A_223, %add3A_224 : i32
      %dma_wait3A_226 = arith.constant 1 : i32
      %dma_wait3A_227 = arith.constant 1 : i32
      %dma_wait3A_228 = arith.constant 0 : i32
      %dma_wait3A_229 = arith.constant 0 : i32
      %dma_wait3A_230 = tpu.memref_slice %arg7[%dma_wait3A_227, %dma_wait3A_228, %dma_wait3A_229] : memref<4x128x64xf32, #tpu.memory_space<vmem>> -> memref<1x128x64xf32, #tpu.memory_space<vmem>>
      %dma_wait3A_231 = tpu.memref_squeeze %dma_wait3A_230 : memref<1x128x64xf32, #tpu.memory_space<vmem>> -> memref<128x64xf32, #tpu.memory_space<vmem>>
      %dma_wait3A_232 = arith.constant 0 : i32
      %dma_wait3A_233 = tpu.memref_slice %arg6[%dma_wait3A_226, %dma_wait3A_232] : memref<4x128xi32, #tpu.memory_space<vmem>> -> memref<1x128xi32, #tpu.memory_space<vmem>>
      %dma_wait3A_234 = tpu.memref_squeeze %dma_wait3A_233 : memref<1x128xi32, #tpu.memory_space<vmem>> -> memref<128xi32, #tpu.memory_space<vmem>>
      %dma_wait3A_235 = arith.constant 0 : i32
      %dma_wait3A_236 = arith.constant 0 : i32
      %dma_wait3A_237 = tpu.memref_slice %arg2[%dma_wait3A_235, %dma_wait3A_236] : memref<262144x64xf32, #tpu.memory_space<hbm>> -> memref<262144x64xf32, #tpu.memory_space<hbm>>
      tpu.wait_indirect_dma semaphore(%arg9 : memref<!tpu.dma_semaphore, #tpu.memory_space<semaphore_mem>>) src(%dma_wait3A_237 : memref<262144x64xf32, #tpu.memory_space<hbm>>) dst(%dma_wait3A_231 : memref<128x64xf32, #tpu.memory_space<vmem>>)
      %mul3A_238 = arith.constant 128 : i32
      %mul3A_239 = arith.muli %add3A_225, %mul3A_238 : i32
      %add3A_240 = arith.addi %mul3A_18, %mul3A_239 : i32
      %dma_start3A_241 = arith.constant 1 : i32
      %dma_start3A_242 = arith.constant 0 : i32
      %dma_start3A_243 = arith.constant 0 : i32
      %dma_start3A_244 = tpu.memref_slice %arg7[%dma_start3A_241, %dma_start3A_242, %dma_start3A_243] : memref<4x128x64xf32, #tpu.memory_space<vmem>> -> memref<1x128x64xf32, #tpu.memory_space<vmem>>
      %dma_start3A_245 = tpu.memref_squeeze %dma_start3A_244 : memref<1x128x64xf32, #tpu.memory_space<vmem>> -> memref<128x64xf32, #tpu.memory_space<vmem>>
      %dma_start3A_246 = arith.constant 0 : i32
      %dma_start3A_247 = tpu.memref_slice %arg4[%add3A_240, %dma_start3A_246] : memref<262144x64xf32, #tpu.memory_space<hbm>> -> memref<128x64xf32, #tpu.memory_space<hbm>>
      %dma_start3A_248 = arith.constant 0 : i32
      %dma_start3A_249 = tpu.memref_slice %arg4[%add3A_240, %dma_start3A_248] : memref<262144x64xf32, #tpu.memory_space<hbm>> -> memref<128x64xf32, #tpu.memory_space<hbm>>
      %dma_start3A_250 = arith.constant 0 : i32
      %dma_start3A_251 = arith.constant 0 : i32
      %dma_start3A_252 = tpu.memref_slice %arg7[%dma_start3A_241, %dma_start3A_250, %dma_start3A_251] : memref<4x128x64xf32, #tpu.memory_space<vmem>> -> memref<1x128x64xf32, #tpu.memory_space<vmem>>
      %dma_start3A_253 = tpu.memref_squeeze %dma_start3A_252 : memref<1x128x64xf32, #tpu.memory_space<vmem>> -> memref<128x64xf32, #tpu.memory_space<vmem>>
      tpu.enqueue_dma source(%dma_start3A_253 : memref<128x64xf32, #tpu.memory_space<vmem>>) target(%dma_start3A_249 : memref<128x64xf32, #tpu.memory_space<hbm>>) target_semaphore(%arg13 : memref<!tpu.dma_semaphore, #tpu.memory_space<semaphore_mem>>)
      %mul3A_254 = arith.constant 4 : i32
      %mul3A_255 = arith.muli %scan3A_85, %mul3A_254 : i32
      %add3A_256 = arith.constant 2 : i32
      %add3A_257 = arith.addi %mul3A_255, %add3A_256 : i32
      %dma_wait3A_258 = arith.constant 2 : i32
      %dma_wait3A_259 = arith.constant 2 : i32
      %dma_wait3A_260 = arith.constant 0 : i32
      %dma_wait3A_261 = arith.constant 0 : i32
      %dma_wait3A_262 = tpu.memref_slice %arg7[%dma_wait3A_259, %dma_wait3A_260, %dma_wait3A_261] : memref<4x128x64xf32, #tpu.memory_space<vmem>> -> memref<1x128x64xf32, #tpu.memory_space<vmem>>
      %dma_wait3A_263 = tpu.memref_squeeze %dma_wait3A_262 : memref<1x128x64xf32, #tpu.memory_space<vmem>> -> memref<128x64xf32, #tpu.memory_space<vmem>>
      %dma_wait3A_264 = arith.constant 0 : i32
      %dma_wait3A_265 = tpu.memref_slice %arg6[%dma_wait3A_258, %dma_wait3A_264] : memref<4x128xi32, #tpu.memory_space<vmem>> -> memref<1x128xi32, #tpu.memory_space<vmem>>
      %dma_wait3A_266 = tpu.memref_squeeze %dma_wait3A_265 : memref<1x128xi32, #tpu.memory_space<vmem>> -> memref<128xi32, #tpu.memory_space<vmem>>
      %dma_wait3A_267 = arith.constant 0 : i32
      %dma_wait3A_268 = arith.constant 0 : i32
      %dma_wait3A_269 = tpu.memref_slice %arg2[%dma_wait3A_267, %dma_wait3A_268] : memref<262144x64xf32, #tpu.memory_space<hbm>> -> memref<262144x64xf32, #tpu.memory_space<hbm>>
      tpu.wait_indirect_dma semaphore(%arg10 : memref<!tpu.dma_semaphore, #tpu.memory_space<semaphore_mem>>) src(%dma_wait3A_269 : memref<262144x64xf32, #tpu.memory_space<hbm>>) dst(%dma_wait3A_263 : memref<128x64xf32, #tpu.memory_space<vmem>>)
      %mul3A_270 = arith.constant 128 : i32
      %mul3A_271 = arith.muli %add3A_257, %mul3A_270 : i32
      %add3A_272 = arith.addi %mul3A_18, %mul3A_271 : i32
      %dma_start3A_273 = arith.constant 2 : i32
      %dma_start3A_274 = arith.constant 0 : i32
      %dma_start3A_275 = arith.constant 0 : i32
      %dma_start3A_276 = tpu.memref_slice %arg7[%dma_start3A_273, %dma_start3A_274, %dma_start3A_275] : memref<4x128x64xf32, #tpu.memory_space<vmem>> -> memref<1x128x64xf32, #tpu.memory_space<vmem>>
      %dma_start3A_277 = tpu.memref_squeeze %dma_start3A_276 : memref<1x128x64xf32, #tpu.memory_space<vmem>> -> memref<128x64xf32, #tpu.memory_space<vmem>>
      %dma_start3A_278 = arith.constant 0 : i32
      %dma_start3A_279 = tpu.memref_slice %arg4[%add3A_272, %dma_start3A_278] : memref<262144x64xf32, #tpu.memory_space<hbm>> -> memref<128x64xf32, #tpu.memory_space<hbm>>
      %dma_start3A_280 = arith.constant 0 : i32
      %dma_start3A_281 = tpu.memref_slice %arg4[%add3A_272, %dma_start3A_280] : memref<262144x64xf32, #tpu.memory_space<hbm>> -> memref<128x64xf32, #tpu.memory_space<hbm>>
      %dma_start3A_282 = arith.constant 0 : i32
      %dma_start3A_283 = arith.constant 0 : i32
      %dma_start3A_284 = tpu.memref_slice %arg7[%dma_start3A_273, %dma_start3A_282, %dma_start3A_283] : memref<4x128x64xf32, #tpu.memory_space<vmem>> -> memref<1x128x64xf32, #tpu.memory_space<vmem>>
      %dma_start3A_285 = tpu.memref_squeeze %dma_start3A_284 : memref<1x128x64xf32, #tpu.memory_space<vmem>> -> memref<128x64xf32, #tpu.memory_space<vmem>>
      tpu.enqueue_dma source(%dma_start3A_285 : memref<128x64xf32, #tpu.memory_space<vmem>>) target(%dma_start3A_281 : memref<128x64xf32, #tpu.memory_space<hbm>>) target_semaphore(%arg14 : memref<!tpu.dma_semaphore, #tpu.memory_space<semaphore_mem>>)
      %mul3A_286 = arith.constant 4 : i32
      %mul3A_287 = arith.muli %scan3A_85, %mul3A_286 : i32
      %add3A_288 = arith.constant 3 : i32
      %add3A_289 = arith.addi %mul3A_287, %add3A_288 : i32
      %dma_wait3A_290 = arith.constant 3 : i32
      %dma_wait3A_291 = arith.constant 3 : i32
      %dma_wait3A_292 = arith.constant 0 : i32
      %dma_wait3A_293 = arith.constant 0 : i32
      %dma_wait3A_294 = tpu.memref_slice %arg7[%dma_wait3A_291, %dma_wait3A_292, %dma_wait3A_293] : memref<4x128x64xf32, #tpu.memory_space<vmem>> -> memref<1x128x64xf32, #tpu.memory_space<vmem>>
      %dma_wait3A_295 = tpu.memref_squeeze %dma_wait3A_294 : memref<1x128x64xf32, #tpu.memory_space<vmem>> -> memref<128x64xf32, #tpu.memory_space<vmem>>
      %dma_wait3A_296 = arith.constant 0 : i32
      %dma_wait3A_297 = tpu.memref_slice %arg6[%dma_wait3A_290, %dma_wait3A_296] : memref<4x128xi32, #tpu.memory_space<vmem>> -> memref<1x128xi32, #tpu.memory_space<vmem>>
      %dma_wait3A_298 = tpu.memref_squeeze %dma_wait3A_297 : memref<1x128xi32, #tpu.memory_space<vmem>> -> memref<128xi32, #tpu.memory_space<vmem>>
      %dma_wait3A_299 = arith.constant 0 : i32
      %dma_wait3A_300 = arith.constant 0 : i32
      %dma_wait3A_301 = tpu.memref_slice %arg2[%dma_wait3A_299, %dma_wait3A_300] : memref<262144x64xf32, #tpu.memory_space<hbm>> -> memref<262144x64xf32, #tpu.memory_space<hbm>>
      tpu.wait_indirect_dma semaphore(%arg11 : memref<!tpu.dma_semaphore, #tpu.memory_space<semaphore_mem>>) src(%dma_wait3A_301 : memref<262144x64xf32, #tpu.memory_space<hbm>>) dst(%dma_wait3A_295 : memref<128x64xf32, #tpu.memory_space<vmem>>)
      %mul3A_302 = arith.constant 128 : i32
      %mul3A_303 = arith.muli %add3A_289, %mul3A_302 : i32
      %add3A_304 = arith.addi %mul3A_18, %mul3A_303 : i32
      %dma_start3A_305 = arith.constant 3 : i32
      %dma_start3A_306 = arith.constant 0 : i32
      %dma_start3A_307 = arith.constant 0 : i32
      %dma_start3A_308 = tpu.memref_slice %arg7[%dma_start3A_305, %dma_start3A_306, %dma_start3A_307] : memref<4x128x64xf32, #tpu.memory_space<vmem>> -> memref<1x128x64xf32, #tpu.memory_space<vmem>>
      %dma_start3A_309 = tpu.memref_squeeze %dma_start3A_308 : memref<1x128x64xf32, #tpu.memory_space<vmem>> -> memref<128x64xf32, #tpu.memory_space<vmem>>
      %dma_start3A_310 = arith.constant 0 : i32
      %dma_start3A_311 = tpu.memref_slice %arg4[%add3A_304, %dma_start3A_310] : memref<262144x64xf32, #tpu.memory_space<hbm>> -> memref<128x64xf32, #tpu.memory_space<hbm>>
      %dma_start3A_312 = arith.constant 0 : i32
      %dma_start3A_313 = tpu.memref_slice %arg4[%add3A_304, %dma_start3A_312] : memref<262144x64xf32, #tpu.memory_space<hbm>> -> memref<128x64xf32, #tpu.memory_space<hbm>>
      %dma_start3A_314 = arith.constant 0 : i32
      %dma_start3A_315 = arith.constant 0 : i32
      %dma_start3A_316 = tpu.memref_slice %arg7[%dma_start3A_305, %dma_start3A_314, %dma_start3A_315] : memref<4x128x64xf32, #tpu.memory_space<vmem>> -> memref<1x128x64xf32, #tpu.memory_space<vmem>>
      %dma_start3A_317 = tpu.memref_squeeze %dma_start3A_316 : memref<1x128x64xf32, #tpu.memory_space<vmem>> -> memref<128x64xf32, #tpu.memory_space<vmem>>
      tpu.enqueue_dma source(%dma_start3A_317 : memref<128x64xf32, #tpu.memory_space<vmem>>) target(%dma_start3A_313 : memref<128x64xf32, #tpu.memory_space<hbm>>) target_semaphore(%arg15 : memref<!tpu.dma_semaphore, #tpu.memory_space<semaphore_mem>>)
    }
    %scan3A_25 = arith.constant 16 : i32
    %add3A_26 = arith.constant 7680 : i32
    %add3A_27 = arith.addi %mul3A_18, %add3A_26 : i32
    %dma_wait3A = arith.constant 0 : i32
    %dma_wait3A_28 = arith.constant 0 : i32
    %dma_wait3A_29 = arith.constant 0 : i32
    %dma_wait3A_30 = tpu.memref_slice %arg7[%dma_wait3A, %dma_wait3A_28, %dma_wait3A_29] : memref<4x128x64xf32, #tpu.memory_space<vmem>> -> memref<1x128x64xf32, #tpu.memory_space<vmem>>
    %dma_wait3A_31 = tpu.memref_squeeze %dma_wait3A_30 : memref<1x128x64xf32, #tpu.memory_space<vmem>> -> memref<128x64xf32, #tpu.memory_space<vmem>>
    %dma_wait3A_32 = arith.constant 0 : i32
    %dma_wait3A_33 = tpu.memref_slice %arg4[%add3A_27, %dma_wait3A_32] : memref<262144x64xf32, #tpu.memory_space<hbm>> -> memref<128x64xf32, #tpu.memory_space<hbm>>
    %dma_wait3A_34 = arith.constant 0 : i32
    %dma_wait3A_35 = tpu.memref_slice %arg4[%add3A_27, %dma_wait3A_34] : memref<262144x64xf32, #tpu.memory_space<hbm>> -> memref<128x64xf32, #tpu.memory_space<hbm>>
    %dma_wait3A_36 = arith.constant 0 : i32
    %dma_wait3A_37 = arith.constant 0 : i32
    %dma_wait3A_38 = tpu.memref_slice %arg7[%dma_wait3A, %dma_wait3A_36, %dma_wait3A_37] : memref<4x128x64xf32, #tpu.memory_space<vmem>> -> memref<1x128x64xf32, #tpu.memory_space<vmem>>
    %dma_wait3A_39 = tpu.memref_squeeze %dma_wait3A_38 : memref<1x128x64xf32, #tpu.memory_space<vmem>> -> memref<128x64xf32, #tpu.memory_space<vmem>>
    tpu.wait_dma2 semaphore(%arg12 : memref<!tpu.dma_semaphore, #tpu.memory_space<semaphore_mem>>) src(%dma_wait3A_39 : memref<128x64xf32, #tpu.memory_space<vmem>>) dst(%dma_wait3A_35 : memref<128x64xf32, #tpu.memory_space<hbm>>)
    %add3A_40 = arith.constant 7808 : i32
    %add3A_41 = arith.addi %mul3A_18, %add3A_40 : i32
    %dma_wait3A_42 = arith.constant 1 : i32
    %dma_wait3A_43 = arith.constant 0 : i32
    %dma_wait3A_44 = arith.constant 0 : i32
    %dma_wait3A_45 = tpu.memref_slice %arg7[%dma_wait3A_42, %dma_wait3A_43, %dma_wait3A_44] : memref<4x128x64xf32, #tpu.memory_space<vmem>> -> memref<1x128x64xf32, #tpu.memory_space<vmem>>
    %dma_wait3A_46 = tpu.memref_squeeze %dma_wait3A_45 : memref<1x128x64xf32, #tpu.memory_space<vmem>> -> memref<128x64xf32, #tpu.memory_space<vmem>>
    %dma_wait3A_47 = arith.constant 0 : i32
    %dma_wait3A_48 = tpu.memref_slice %arg4[%add3A_41, %dma_wait3A_47] : memref<262144x64xf32, #tpu.memory_space<hbm>> -> memref<128x64xf32, #tpu.memory_space<hbm>>
    %dma_wait3A_49 = arith.constant 0 : i32
    %dma_wait3A_50 = tpu.memref_slice %arg4[%add3A_41, %dma_wait3A_49] : memref<262144x64xf32, #tpu.memory_space<hbm>> -> memref<128x64xf32, #tpu.memory_space<hbm>>
    %dma_wait3A_51 = arith.constant 0 : i32
    %dma_wait3A_52 = arith.constant 0 : i32
    %dma_wait3A_53 = tpu.memref_slice %arg7[%dma_wait3A_42, %dma_wait3A_51, %dma_wait3A_52] : memref<4x128x64xf32, #tpu.memory_space<vmem>> -> memref<1x128x64xf32, #tpu.memory_space<vmem>>
    %dma_wait3A_54 = tpu.memref_squeeze %dma_wait3A_53 : memref<1x128x64xf32, #tpu.memory_space<vmem>> -> memref<128x64xf32, #tpu.memory_space<vmem>>
    tpu.wait_dma2 semaphore(%arg13 : memref<!tpu.dma_semaphore, #tpu.memory_space<semaphore_mem>>) src(%dma_wait3A_54 : memref<128x64xf32, #tpu.memory_space<vmem>>) dst(%dma_wait3A_50 : memref<128x64xf32, #tpu.memory_space<hbm>>)
    %add3A_55 = arith.constant 7936 : i32
    %add3A_56 = arith.addi %mul3A_18, %add3A_55 : i32
    %dma_wait3A_57 = arith.constant 2 : i32
    %dma_wait3A_58 = arith.constant 0 : i32
    %dma_wait3A_59 = arith.constant 0 : i32
    %dma_wait3A_60 = tpu.memref_slice %arg7[%dma_wait3A_57, %dma_wait3A_58, %dma_wait3A_59] : memref<4x128x64xf32, #tpu.memory_space<vmem>> -> memref<1x128x64xf32, #tpu.memory_space<vmem>>
    %dma_wait3A_61 = tpu.memref_squeeze %dma_wait3A_60 : memref<1x128x64xf32, #tpu.memory_space<vmem>> -> memref<128x64xf32, #tpu.memory_space<vmem>>
    %dma_wait3A_62 = arith.constant 0 : i32
    %dma_wait3A_63 = tpu.memref_slice %arg4[%add3A_56, %dma_wait3A_62] : memref<262144x64xf32, #tpu.memory_space<hbm>> -> memref<128x64xf32, #tpu.memory_space<hbm>>
    %dma_wait3A_64 = arith.constant 0 : i32
    %dma_wait3A_65 = tpu.memref_slice %arg4[%add3A_56, %dma_wait3A_64] : memref<262144x64xf32, #tpu.memory_space<hbm>> -> memref<128x64xf32, #tpu.memory_space<hbm>>
    %dma_wait3A_66 = arith.constant 0 : i32
    %dma_wait3A_67 = arith.constant 0 : i32
    %dma_wait3A_68 = tpu.memref_slice %arg7[%dma_wait3A_57, %dma_wait3A_66, %dma_wait3A_67] : memref<4x128x64xf32, #tpu.memory_space<vmem>> -> memref<1x128x64xf32, #tpu.memory_space<vmem>>
    %dma_wait3A_69 = tpu.memref_squeeze %dma_wait3A_68 : memref<1x128x64xf32, #tpu.memory_space<vmem>> -> memref<128x64xf32, #tpu.memory_space<vmem>>
    tpu.wait_dma2 semaphore(%arg14 : memref<!tpu.dma_semaphore, #tpu.memory_space<semaphore_mem>>) src(%dma_wait3A_69 : memref<128x64xf32, #tpu.memory_space<vmem>>) dst(%dma_wait3A_65 : memref<128x64xf32, #tpu.memory_space<hbm>>)
    %add3A_70 = arith.constant 8064 : i32
    %add3A_71 = arith.addi %mul3A_18, %add3A_70 : i32
    %dma_wait3A_72 = arith.constant 3 : i32
    %dma_wait3A_73 = arith.constant 0 : i32
    %dma_wait3A_74 = arith.constant 0 : i32
    %dma_wait3A_75 = tpu.memref_slice %arg7[%dma_wait3A_72, %dma_wait3A_73, %dma_wait3A_74] : memref<4x128x64xf32, #tpu.memory_space<vmem>> -> memref<1x128x64xf32, #tpu.memory_space<vmem>>
    %dma_wait3A_76 = tpu.memref_squeeze %dma_wait3A_75 : memref<1x128x64xf32, #tpu.memory_space<vmem>> -> memref<128x64xf32, #tpu.memory_space<vmem>>
    %dma_wait3A_77 = arith.constant 0 : i32
    %dma_wait3A_78 = tpu.memref_slice %arg4[%add3A_71, %dma_wait3A_77] : memref<262144x64xf32, #tpu.memory_space<hbm>> -> memref<128x64xf32, #tpu.memory_space<hbm>>
    %dma_wait3A_79 = arith.constant 0 : i32
    %dma_wait3A_80 = tpu.memref_slice %arg4[%add3A_71, %dma_wait3A_79] : memref<262144x64xf32, #tpu.memory_space<hbm>> -> memref<128x64xf32, #tpu.memory_space<hbm>>
    %dma_wait3A_81 = arith.constant 0 : i32
    %dma_wait3A_82 = arith.constant 0 : i32
    %dma_wait3A_83 = tpu.memref_slice %arg7[%dma_wait3A_72, %dma_wait3A_81, %dma_wait3A_82] : memref<4x128x64xf32, #tpu.memory_space<vmem>> -> memref<1x128x64xf32, #tpu.memory_space<vmem>>
    %dma_wait3A_84 = tpu.memref_squeeze %dma_wait3A_83 : memref<1x128x64xf32, #tpu.memory_space<vmem>> -> memref<128x64xf32, #tpu.memory_space<vmem>>
    tpu.wait_dma2 semaphore(%arg15 : memref<!tpu.dma_semaphore, #tpu.memory_space<semaphore_mem>>) src(%dma_wait3A_84 : memref<128x64xf32, #tpu.memory_space<vmem>>) dst(%dma_wait3A_80 : memref<128x64xf32, #tpu.memory_space<hbm>>)
    return
  }
}

module attributes {stable_mosaic.version = 14 : i64} {
  func.func @_scan_body(%arg0: i32, %arg1: i32, %arg2: memref<1x64x8192xf32, #tpu.memory_space<vmem>>, %arg3: memref<512x512xf32, #tpu.memory_space<vmem>>, %arg4: memref<1x8192x64xf32, #tpu.memory_space<vmem>>, %arg5: memref<1x64xf32, #tpu.memory_space<vmem>>) attributes {dimension_semantics = [#tpu.dimension_semantics<arbitrary>, #tpu.dimension_semantics<arbitrary>], iteration_bounds = array<i64: 8, 4>, scalar_prefetch = 0 : i64, scratch_operands = 1 : i64, tpu.core_type = #tpu.core_type<tc>, window_params = [{transform_indices = @transform_0, window_bounds = array<i64: 1, 64, 8192>}, {pipeline_mode = #tpu.pipeline_mode<synchronous>, transform_indices = @transform_1, window_bounds = array<i64: 512, 512>}, {transform_indices = @transform_2, window_bounds = array<i64: 1, 8192, 64>}]} {
    %eq3A = arith.constant 0 : i32
    %eq3A_0 = arith.cmpi eq, %arg1, %eq3A : i32
    %convert_element_type3A = arith.extui %eq3A_0 : i1 to i32
    %cond3A = arith.constant 0 : i32
    %cond3A_1 = arith.cmpi ne, %convert_element_type3A, %cond3A : i32
    scf.if %cond3A_1 {
      %broadcast_in_dim3A = arith.constant 0.000000e+00 : f32
      %broadcast_in_dim3A_262 = vector.broadcast %broadcast_in_dim3A : f32 to vector<1x64xf32>
      %swap3A_263 = arith.constant 0 : index
      %swap3A_264 = arith.constant 0 : index
      %swap3A_265 = vector.load %arg5[%swap3A_263, %swap3A_264] : memref<1x64xf32, #tpu.memory_space<vmem>>, vector<1x64xf32>
      tpu.vector_store %arg5[%swap3A_263, %swap3A_264], %broadcast_in_dim3A_262 {strides = array<i32>} : memref<1x64xf32, #tpu.memory_space<vmem>>, vector<1x64xf32>,
    } else {
    }
    %get3A = arith.constant 0 : index
    %get3A_2 = arith.constant 0 : index
    %get3A_3 = vector.load %arg3[%get3A, %get3A_2] : memref<512x512xf32, #tpu.memory_space<vmem>>, vector<512x512xf32>
    %get3A_4 = arith.constant 0 : index
    %get3A_5 = arith.constant 0 : index
    %get3A_6 = vector.load %arg5[%get3A_4, %get3A_5] : memref<1x64xf32, #tpu.memory_space<vmem>>, vector<1x64xf32>
    %get3A_7 = arith.constant 0 : index
    %get3A_8 = arith.constant 0 : index
    %get3A_9 = arith.constant 0 : index
    %get3A_10 = vector.load %arg2[%get3A_7, %get3A_8, %get3A_9] : memref<1x64x8192xf32, #tpu.memory_space<vmem>>, vector<1x64x512xf32>
    %get3A_11 = vector.shape_cast %get3A_10 : vector<1x64x512xf32> to vector<64x512xf32>
    %dot_general3A = arith.constant dense<0.000000e+00> : vector<512x64xf32>
    %dot_general3A_12 = tpu.matmul %get3A_3, %get3A_11, %dot_general3A {dimension_numbers = #tpu.dot_dimension_numbers<[1], [1], [0], [0], [0, 0, 1, 0], [], []>, precision = #tpu.contract_precision<fp32>, transpose_lhs_hint = false} : vector<512x512xf32>, vector<64x512xf32>, vector<512x64xf32> -> vector<512x64xf32>
    %add3A = vector.broadcast %get3A_6 : vector<1x64xf32> to vector<512x64xf32>
    %add3A_13 = arith.addf %dot_general3A_12, %add3A : vector<512x64xf32>
    %swap3A = arith.constant 0 : index
    %swap3A_14 = arith.constant 0 : index
    %swap3A_15 = arith.constant 0 : index
    %swap3A_16 = vector.load %arg4[%swap3A, %swap3A_14, %swap3A_15] : memref<1x8192x64xf32, #tpu.memory_space<vmem>>, vector<1x512x64xf32>
    %swap3A_17 = vector.shape_cast %swap3A_16 : vector<1x512x64xf32> to vector<512x64xf32>
    %swap3A_18 = vector.shape_cast %add3A_13 : vector<512x64xf32> to vector<1x512x64xf32>
    tpu.vector_store %arg4[%swap3A, %swap3A_14, %swap3A_15], %swap3A_18 {strides = array<i32>} : memref<1x8192x64xf32, #tpu.memory_space<vmem>>, vector<1x512x64xf32>,
    %slice3A = vector.extract_strided_slice %add3A_13 {offsets = [511, 0], sizes = [1, 64], strides = [1, 1]} : vector<512x64xf32> to vector<1x64xf32>
    %get3A_19 = arith.constant 0 : index
    %get3A_20 = arith.constant 0 : index
    %get3A_21 = arith.constant 512 : index
    %get3A_22 = vector.load %arg2[%get3A_19, %get3A_20, %get3A_21] : memref<1x64x8192xf32, #tpu.memory_space<vmem>>, vector<1x64x512xf32>
    %get3A_23 = vector.shape_cast %get3A_22 : vector<1x64x512xf32> to vector<64x512xf32>
    %dot_general3A_24 = arith.constant dense<0.000000e+00> : vector<512x64xf32>
    %dot_general3A_25 = tpu.matmul %get3A_3, %get3A_23, %dot_general3A_24 {dimension_numbers = #tpu.dot_dimension_numbers<[1], [1], [0], [0], [0, 0, 1, 0], [], []>, precision = #tpu.contract_precision<fp32>, transpose_lhs_hint = false} : vector<512x512xf32>, vector<64x512xf32>, vector<512x64xf32> -> vector<512x64xf32>
    %add3A_26 = vector.broadcast %slice3A : vector<1x64xf32> to vector<512x64xf32>
    %add3A_27 = arith.addf %dot_general3A_25, %add3A_26 : vector<512x64xf32>
    %swap3A_28 = arith.constant 0 : index
    %swap3A_29 = arith.constant 512 : index
    %swap3A_30 = arith.constant 0 : index
    %swap3A_31 = vector.load %arg4[%swap3A_28, %swap3A_29, %swap3A_30] : memref<1x8192x64xf32, #tpu.memory_space<vmem>>, vector<1x512x64xf32>
    %swap3A_32 = vector.shape_cast %swap3A_31 : vector<1x512x64xf32> to vector<512x64xf32>
    %swap3A_33 = vector.shape_cast %add3A_27 : vector<512x64xf32> to vector<1x512x64xf32>
    tpu.vector_store %arg4[%swap3A_28, %swap3A_29, %swap3A_30], %swap3A_33 {strides = array<i32>} : memref<1x8192x64xf32, #tpu.memory_space<vmem>>, vector<1x512x64xf32>,
    %slice3A_34 = vector.extract_strided_slice %add3A_27 {offsets = [511, 0], sizes = [1, 64], strides = [1, 1]} : vector<512x64xf32> to vector<1x64xf32>
    %get3A_35 = arith.constant 0 : index
    %get3A_36 = arith.constant 0 : index
    %get3A_37 = arith.constant 1024 : index
    %get3A_38 = vector.load %arg2[%get3A_35, %get3A_36, %get3A_37] : memref<1x64x8192xf32, #tpu.memory_space<vmem>>, vector<1x64x512xf32>
    %get3A_39 = vector.shape_cast %get3A_38 : vector<1x64x512xf32> to vector<64x512xf32>
    %dot_general3A_40 = arith.constant dense<0.000000e+00> : vector<512x64xf32>
    %dot_general3A_41 = tpu.matmul %get3A_3, %get3A_39, %dot_general3A_40 {dimension_numbers = #tpu.dot_dimension_numbers<[1], [1], [0], [0], [0, 0, 1, 0], [], []>, precision = #tpu.contract_precision<fp32>, transpose_lhs_hint = false} : vector<512x512xf32>, vector<64x512xf32>, vector<512x64xf32> -> vector<512x64xf32>
    %add3A_42 = vector.broadcast %slice3A_34 : vector<1x64xf32> to vector<512x64xf32>
    %add3A_43 = arith.addf %dot_general3A_41, %add3A_42 : vector<512x64xf32>
    %swap3A_44 = arith.constant 0 : index
    %swap3A_45 = arith.constant 1024 : index
    %swap3A_46 = arith.constant 0 : index
    %swap3A_47 = vector.load %arg4[%swap3A_44, %swap3A_45, %swap3A_46] : memref<1x8192x64xf32, #tpu.memory_space<vmem>>, vector<1x512x64xf32>
    %swap3A_48 = vector.shape_cast %swap3A_47 : vector<1x512x64xf32> to vector<512x64xf32>
    %swap3A_49 = vector.shape_cast %add3A_43 : vector<512x64xf32> to vector<1x512x64xf32>
    tpu.vector_store %arg4[%swap3A_44, %swap3A_45, %swap3A_46], %swap3A_49 {strides = array<i32>} : memref<1x8192x64xf32, #tpu.memory_space<vmem>>, vector<1x512x64xf32>,
    %slice3A_50 = vector.extract_strided_slice %add3A_43 {offsets = [511, 0], sizes = [1, 64], strides = [1, 1]} : vector<512x64xf32> to vector<1x64xf32>
    %get3A_51 = arith.constant 0 : index
    %get3A_52 = arith.constant 0 : index
    %get3A_53 = arith.constant 1536 : index
    %get3A_54 = vector.load %arg2[%get3A_51, %get3A_52, %get3A_53] : memref<1x64x8192xf32, #tpu.memory_space<vmem>>, vector<1x64x512xf32>
    %get3A_55 = vector.shape_cast %get3A_54 : vector<1x64x512xf32> to vector<64x512xf32>
    %dot_general3A_56 = arith.constant dense<0.000000e+00> : vector<512x64xf32>
    %dot_general3A_57 = tpu.matmul %get3A_3, %get3A_55, %dot_general3A_56 {dimension_numbers = #tpu.dot_dimension_numbers<[1], [1], [0], [0], [0, 0, 1, 0], [], []>, precision = #tpu.contract_precision<fp32>, transpose_lhs_hint = false} : vector<512x512xf32>, vector<64x512xf32>, vector<512x64xf32> -> vector<512x64xf32>
    %add3A_58 = vector.broadcast %slice3A_50 : vector<1x64xf32> to vector<512x64xf32>
    %add3A_59 = arith.addf %dot_general3A_57, %add3A_58 : vector<512x64xf32>
    %swap3A_60 = arith.constant 0 : index
    %swap3A_61 = arith.constant 1536 : index
    %swap3A_62 = arith.constant 0 : index
    %swap3A_63 = vector.load %arg4[%swap3A_60, %swap3A_61, %swap3A_62] : memref<1x8192x64xf32, #tpu.memory_space<vmem>>, vector<1x512x64xf32>
    %swap3A_64 = vector.shape_cast %swap3A_63 : vector<1x512x64xf32> to vector<512x64xf32>
    %swap3A_65 = vector.shape_cast %add3A_59 : vector<512x64xf32> to vector<1x512x64xf32>
    tpu.vector_store %arg4[%swap3A_60, %swap3A_61, %swap3A_62], %swap3A_65 {strides = array<i32>} : memref<1x8192x64xf32, #tpu.memory_space<vmem>>, vector<1x512x64xf32>,
    %slice3A_66 = vector.extract_strided_slice %add3A_59 {offsets = [511, 0], sizes = [1, 64], strides = [1, 1]} : vector<512x64xf32> to vector<1x64xf32>
    %get3A_67 = arith.constant 0 : index
    %get3A_68 = arith.constant 0 : index
    %get3A_69 = arith.constant 2048 : index
    %get3A_70 = vector.load %arg2[%get3A_67, %get3A_68, %get3A_69] : memref<1x64x8192xf32, #tpu.memory_space<vmem>>, vector<1x64x512xf32>
    %get3A_71 = vector.shape_cast %get3A_70 : vector<1x64x512xf32> to vector<64x512xf32>
    %dot_general3A_72 = arith.constant dense<0.000000e+00> : vector<512x64xf32>
    %dot_general3A_73 = tpu.matmul %get3A_3, %get3A_71, %dot_general3A_72 {dimension_numbers = #tpu.dot_dimension_numbers<[1], [1], [0], [0], [0, 0, 1, 0], [], []>, precision = #tpu.contract_precision<fp32>, transpose_lhs_hint = false} : vector<512x512xf32>, vector<64x512xf32>, vector<512x64xf32> -> vector<512x64xf32>
    %add3A_74 = vector.broadcast %slice3A_66 : vector<1x64xf32> to vector<512x64xf32>
    %add3A_75 = arith.addf %dot_general3A_73, %add3A_74 : vector<512x64xf32>
    %swap3A_76 = arith.constant 0 : index
    %swap3A_77 = arith.constant 2048 : index
    %swap3A_78 = arith.constant 0 : index
    %swap3A_79 = vector.load %arg4[%swap3A_76, %swap3A_77, %swap3A_78] : memref<1x8192x64xf32, #tpu.memory_space<vmem>>, vector<1x512x64xf32>
    %swap3A_80 = vector.shape_cast %swap3A_79 : vector<1x512x64xf32> to vector<512x64xf32>
    %swap3A_81 = vector.shape_cast %add3A_75 : vector<512x64xf32> to vector<1x512x64xf32>
    tpu.vector_store %arg4[%swap3A_76, %swap3A_77, %swap3A_78], %swap3A_81 {strides = array<i32>} : memref<1x8192x64xf32, #tpu.memory_space<vmem>>, vector<1x512x64xf32>,
    %slice3A_82 = vector.extract_strided_slice %add3A_75 {offsets = [511, 0], sizes = [1, 64], strides = [1, 1]} : vector<512x64xf32> to vector<1x64xf32>
    %get3A_83 = arith.constant 0 : index
    %get3A_84 = arith.constant 0 : index
    %get3A_85 = arith.constant 2560 : index
    %get3A_86 = vector.load %arg2[%get3A_83, %get3A_84, %get3A_85] : memref<1x64x8192xf32, #tpu.memory_space<vmem>>, vector<1x64x512xf32>
    %get3A_87 = vector.shape_cast %get3A_86 : vector<1x64x512xf32> to vector<64x512xf32>
    %dot_general3A_88 = arith.constant dense<0.000000e+00> : vector<512x64xf32>
    %dot_general3A_89 = tpu.matmul %get3A_3, %get3A_87, %dot_general3A_88 {dimension_numbers = #tpu.dot_dimension_numbers<[1], [1], [0], [0], [0, 0, 1, 0], [], []>, precision = #tpu.contract_precision<fp32>, transpose_lhs_hint = false} : vector<512x512xf32>, vector<64x512xf32>, vector<512x64xf32> -> vector<512x64xf32>
    %add3A_90 = vector.broadcast %slice3A_82 : vector<1x64xf32> to vector<512x64xf32>
    %add3A_91 = arith.addf %dot_general3A_89, %add3A_90 : vector<512x64xf32>
    %swap3A_92 = arith.constant 0 : index
    %swap3A_93 = arith.constant 2560 : index
    %swap3A_94 = arith.constant 0 : index
    %swap3A_95 = vector.load %arg4[%swap3A_92, %swap3A_93, %swap3A_94] : memref<1x8192x64xf32, #tpu.memory_space<vmem>>, vector<1x512x64xf32>
    %swap3A_96 = vector.shape_cast %swap3A_95 : vector<1x512x64xf32> to vector<512x64xf32>
    %swap3A_97 = vector.shape_cast %add3A_91 : vector<512x64xf32> to vector<1x512x64xf32>
    tpu.vector_store %arg4[%swap3A_92, %swap3A_93, %swap3A_94], %swap3A_97 {strides = array<i32>} : memref<1x8192x64xf32, #tpu.memory_space<vmem>>, vector<1x512x64xf32>,
    %slice3A_98 = vector.extract_strided_slice %add3A_91 {offsets = [511, 0], sizes = [1, 64], strides = [1, 1]} : vector<512x64xf32> to vector<1x64xf32>
    %get3A_99 = arith.constant 0 : index
    %get3A_100 = arith.constant 0 : index
    %get3A_101 = arith.constant 3072 : index
    %get3A_102 = vector.load %arg2[%get3A_99, %get3A_100, %get3A_101] : memref<1x64x8192xf32, #tpu.memory_space<vmem>>, vector<1x64x512xf32>
    %get3A_103 = vector.shape_cast %get3A_102 : vector<1x64x512xf32> to vector<64x512xf32>
    %dot_general3A_104 = arith.constant dense<0.000000e+00> : vector<512x64xf32>
    %dot_general3A_105 = tpu.matmul %get3A_3, %get3A_103, %dot_general3A_104 {dimension_numbers = #tpu.dot_dimension_numbers<[1], [1], [0], [0], [0, 0, 1, 0], [], []>, precision = #tpu.contract_precision<fp32>, transpose_lhs_hint = false} : vector<512x512xf32>, vector<64x512xf32>, vector<512x64xf32> -> vector<512x64xf32>
    %add3A_106 = vector.broadcast %slice3A_98 : vector<1x64xf32> to vector<512x64xf32>
    %add3A_107 = arith.addf %dot_general3A_105, %add3A_106 : vector<512x64xf32>
    %swap3A_108 = arith.constant 0 : index
    %swap3A_109 = arith.constant 3072 : index
    %swap3A_110 = arith.constant 0 : index
    %swap3A_111 = vector.load %arg4[%swap3A_108, %swap3A_109, %swap3A_110] : memref<1x8192x64xf32, #tpu.memory_space<vmem>>, vector<1x512x64xf32>
    %swap3A_112 = vector.shape_cast %swap3A_111 : vector<1x512x64xf32> to vector<512x64xf32>
    %swap3A_113 = vector.shape_cast %add3A_107 : vector<512x64xf32> to vector<1x512x64xf32>
    tpu.vector_store %arg4[%swap3A_108, %swap3A_109, %swap3A_110], %swap3A_113 {strides = array<i32>} : memref<1x8192x64xf32, #tpu.memory_space<vmem>>, vector<1x512x64xf32>,
    %slice3A_114 = vector.extract_strided_slice %add3A_107 {offsets = [511, 0], sizes = [1, 64], strides = [1, 1]} : vector<512x64xf32> to vector<1x64xf32>
    %get3A_115 = arith.constant 0 : index
    %get3A_116 = arith.constant 0 : index
    %get3A_117 = arith.constant 3584 : index
    %get3A_118 = vector.load %arg2[%get3A_115, %get3A_116, %get3A_117] : memref<1x64x8192xf32, #tpu.memory_space<vmem>>, vector<1x64x512xf32>
    %get3A_119 = vector.shape_cast %get3A_118 : vector<1x64x512xf32> to vector<64x512xf32>
    %dot_general3A_120 = arith.constant dense<0.000000e+00> : vector<512x64xf32>
    %dot_general3A_121 = tpu.matmul %get3A_3, %get3A_119, %dot_general3A_120 {dimension_numbers = #tpu.dot_dimension_numbers<[1], [1], [0], [0], [0, 0, 1, 0], [], []>, precision = #tpu.contract_precision<fp32>, transpose_lhs_hint = false} : vector<512x512xf32>, vector<64x512xf32>, vector<512x64xf32> -> vector<512x64xf32>
    %add3A_122 = vector.broadcast %slice3A_114 : vector<1x64xf32> to vector<512x64xf32>
    %add3A_123 = arith.addf %dot_general3A_121, %add3A_122 : vector<512x64xf32>
    %swap3A_124 = arith.constant 0 : index
    %swap3A_125 = arith.constant 3584 : index
    %swap3A_126 = arith.constant 0 : index
    %swap3A_127 = vector.load %arg4[%swap3A_124, %swap3A_125, %swap3A_126] : memref<1x8192x64xf32, #tpu.memory_space<vmem>>, vector<1x512x64xf32>
    %swap3A_128 = vector.shape_cast %swap3A_127 : vector<1x512x64xf32> to vector<512x64xf32>
    %swap3A_129 = vector.shape_cast %add3A_123 : vector<512x64xf32> to vector<1x512x64xf32>
    tpu.vector_store %arg4[%swap3A_124, %swap3A_125, %swap3A_126], %swap3A_129 {strides = array<i32>} : memref<1x8192x64xf32, #tpu.memory_space<vmem>>, vector<1x512x64xf32>,
    %slice3A_130 = vector.extract_strided_slice %add3A_123 {offsets = [511, 0], sizes = [1, 64], strides = [1, 1]} : vector<512x64xf32> to vector<1x64xf32>
    %get3A_131 = arith.constant 0 : index
    %get3A_132 = arith.constant 0 : index
    %get3A_133 = arith.constant 4096 : index
    %get3A_134 = vector.load %arg2[%get3A_131, %get3A_132, %get3A_133] : memref<1x64x8192xf32, #tpu.memory_space<vmem>>, vector<1x64x512xf32>
    %get3A_135 = vector.shape_cast %get3A_134 : vector<1x64x512xf32> to vector<64x512xf32>
    %dot_general3A_136 = arith.constant dense<0.000000e+00> : vector<512x64xf32>
    %dot_general3A_137 = tpu.matmul %get3A_3, %get3A_135, %dot_general3A_136 {dimension_numbers = #tpu.dot_dimension_numbers<[1], [1], [0], [0], [0, 0, 1, 0], [], []>, precision = #tpu.contract_precision<fp32>, transpose_lhs_hint = false} : vector<512x512xf32>, vector<64x512xf32>, vector<512x64xf32> -> vector<512x64xf32>
    %add3A_138 = vector.broadcast %slice3A_130 : vector<1x64xf32> to vector<512x64xf32>
    %add3A_139 = arith.addf %dot_general3A_137, %add3A_138 : vector<512x64xf32>
    %swap3A_140 = arith.constant 0 : index
    %swap3A_141 = arith.constant 4096 : index
    %swap3A_142 = arith.constant 0 : index
    %swap3A_143 = vector.load %arg4[%swap3A_140, %swap3A_141, %swap3A_142] : memref<1x8192x64xf32, #tpu.memory_space<vmem>>, vector<1x512x64xf32>
    %swap3A_144 = vector.shape_cast %swap3A_143 : vector<1x512x64xf32> to vector<512x64xf32>
    %swap3A_145 = vector.shape_cast %add3A_139 : vector<512x64xf32> to vector<1x512x64xf32>
    tpu.vector_store %arg4[%swap3A_140, %swap3A_141, %swap3A_142], %swap3A_145 {strides = array<i32>} : memref<1x8192x64xf32, #tpu.memory_space<vmem>>, vector<1x512x64xf32>,
    %slice3A_146 = vector.extract_strided_slice %add3A_139 {offsets = [511, 0], sizes = [1, 64], strides = [1, 1]} : vector<512x64xf32> to vector<1x64xf32>
    %get3A_147 = arith.constant 0 : index
    %get3A_148 = arith.constant 0 : index
    %get3A_149 = arith.constant 4608 : index
    %get3A_150 = vector.load %arg2[%get3A_147, %get3A_148, %get3A_149] : memref<1x64x8192xf32, #tpu.memory_space<vmem>>, vector<1x64x512xf32>
    %get3A_151 = vector.shape_cast %get3A_150 : vector<1x64x512xf32> to vector<64x512xf32>
    %dot_general3A_152 = arith.constant dense<0.000000e+00> : vector<512x64xf32>
    %dot_general3A_153 = tpu.matmul %get3A_3, %get3A_151, %dot_general3A_152 {dimension_numbers = #tpu.dot_dimension_numbers<[1], [1], [0], [0], [0, 0, 1, 0], [], []>, precision = #tpu.contract_precision<fp32>, transpose_lhs_hint = false} : vector<512x512xf32>, vector<64x512xf32>, vector<512x64xf32> -> vector<512x64xf32>
    %add3A_154 = vector.broadcast %slice3A_146 : vector<1x64xf32> to vector<512x64xf32>
    %add3A_155 = arith.addf %dot_general3A_153, %add3A_154 : vector<512x64xf32>
    %swap3A_156 = arith.constant 0 : index
    %swap3A_157 = arith.constant 4608 : index
    %swap3A_158 = arith.constant 0 : index
    %swap3A_159 = vector.load %arg4[%swap3A_156, %swap3A_157, %swap3A_158] : memref<1x8192x64xf32, #tpu.memory_space<vmem>>, vector<1x512x64xf32>
    %swap3A_160 = vector.shape_cast %swap3A_159 : vector<1x512x64xf32> to vector<512x64xf32>
    %swap3A_161 = vector.shape_cast %add3A_155 : vector<512x64xf32> to vector<1x512x64xf32>
    tpu.vector_store %arg4[%swap3A_156, %swap3A_157, %swap3A_158], %swap3A_161 {strides = array<i32>} : memref<1x8192x64xf32, #tpu.memory_space<vmem>>, vector<1x512x64xf32>,
    %slice3A_162 = vector.extract_strided_slice %add3A_155 {offsets = [511, 0], sizes = [1, 64], strides = [1, 1]} : vector<512x64xf32> to vector<1x64xf32>
    %get3A_163 = arith.constant 0 : index
    %get3A_164 = arith.constant 0 : index
    %get3A_165 = arith.constant 5120 : index
    %get3A_166 = vector.load %arg2[%get3A_163, %get3A_164, %get3A_165] : memref<1x64x8192xf32, #tpu.memory_space<vmem>>, vector<1x64x512xf32>
    %get3A_167 = vector.shape_cast %get3A_166 : vector<1x64x512xf32> to vector<64x512xf32>
    %dot_general3A_168 = arith.constant dense<0.000000e+00> : vector<512x64xf32>
    %dot_general3A_169 = tpu.matmul %get3A_3, %get3A_167, %dot_general3A_168 {dimension_numbers = #tpu.dot_dimension_numbers<[1], [1], [0], [0], [0, 0, 1, 0], [], []>, precision = #tpu.contract_precision<fp32>, transpose_lhs_hint = false} : vector<512x512xf32>, vector<64x512xf32>, vector<512x64xf32> -> vector<512x64xf32>
    %add3A_170 = vector.broadcast %slice3A_162 : vector<1x64xf32> to vector<512x64xf32>
    %add3A_171 = arith.addf %dot_general3A_169, %add3A_170 : vector<512x64xf32>
    %swap3A_172 = arith.constant 0 : index
    %swap3A_173 = arith.constant 5120 : index
    %swap3A_174 = arith.constant 0 : index
    %swap3A_175 = vector.load %arg4[%swap3A_172, %swap3A_173, %swap3A_174] : memref<1x8192x64xf32, #tpu.memory_space<vmem>>, vector<1x512x64xf32>
    %swap3A_176 = vector.shape_cast %swap3A_175 : vector<1x512x64xf32> to vector<512x64xf32>
    %swap3A_177 = vector.shape_cast %add3A_171 : vector<512x64xf32> to vector<1x512x64xf32>
    tpu.vector_store %arg4[%swap3A_172, %swap3A_173, %swap3A_174], %swap3A_177 {strides = array<i32>} : memref<1x8192x64xf32, #tpu.memory_space<vmem>>, vector<1x512x64xf32>,
    %slice3A_178 = vector.extract_strided_slice %add3A_171 {offsets = [511, 0], sizes = [1, 64], strides = [1, 1]} : vector<512x64xf32> to vector<1x64xf32>
    %get3A_179 = arith.constant 0 : index
    %get3A_180 = arith.constant 0 : index
    %get3A_181 = arith.constant 5632 : index
    %get3A_182 = vector.load %arg2[%get3A_179, %get3A_180, %get3A_181] : memref<1x64x8192xf32, #tpu.memory_space<vmem>>, vector<1x64x512xf32>
    %get3A_183 = vector.shape_cast %get3A_182 : vector<1x64x512xf32> to vector<64x512xf32>
    %dot_general3A_184 = arith.constant dense<0.000000e+00> : vector<512x64xf32>
    %dot_general3A_185 = tpu.matmul %get3A_3, %get3A_183, %dot_general3A_184 {dimension_numbers = #tpu.dot_dimension_numbers<[1], [1], [0], [0], [0, 0, 1, 0], [], []>, precision = #tpu.contract_precision<fp32>, transpose_lhs_hint = false} : vector<512x512xf32>, vector<64x512xf32>, vector<512x64xf32> -> vector<512x64xf32>
    %add3A_186 = vector.broadcast %slice3A_178 : vector<1x64xf32> to vector<512x64xf32>
    %add3A_187 = arith.addf %dot_general3A_185, %add3A_186 : vector<512x64xf32>
    %swap3A_188 = arith.constant 0 : index
    %swap3A_189 = arith.constant 5632 : index
    %swap3A_190 = arith.constant 0 : index
    %swap3A_191 = vector.load %arg4[%swap3A_188, %swap3A_189, %swap3A_190] : memref<1x8192x64xf32, #tpu.memory_space<vmem>>, vector<1x512x64xf32>
    %swap3A_192 = vector.shape_cast %swap3A_191 : vector<1x512x64xf32> to vector<512x64xf32>
    %swap3A_193 = vector.shape_cast %add3A_187 : vector<512x64xf32> to vector<1x512x64xf32>
    tpu.vector_store %arg4[%swap3A_188, %swap3A_189, %swap3A_190], %swap3A_193 {strides = array<i32>} : memref<1x8192x64xf32, #tpu.memory_space<vmem>>, vector<1x512x64xf32>,
    %slice3A_194 = vector.extract_strided_slice %add3A_187 {offsets = [511, 0], sizes = [1, 64], strides = [1, 1]} : vector<512x64xf32> to vector<1x64xf32>
    %get3A_195 = arith.constant 0 : index
    %get3A_196 = arith.constant 0 : index
    %get3A_197 = arith.constant 6144 : index
    %get3A_198 = vector.load %arg2[%get3A_195, %get3A_196, %get3A_197] : memref<1x64x8192xf32, #tpu.memory_space<vmem>>, vector<1x64x512xf32>
    %get3A_199 = vector.shape_cast %get3A_198 : vector<1x64x512xf32> to vector<64x512xf32>
    %dot_general3A_200 = arith.constant dense<0.000000e+00> : vector<512x64xf32>
    %dot_general3A_201 = tpu.matmul %get3A_3, %get3A_199, %dot_general3A_200 {dimension_numbers = #tpu.dot_dimension_numbers<[1], [1], [0], [0], [0, 0, 1, 0], [], []>, precision = #tpu.contract_precision<fp32>, transpose_lhs_hint = false} : vector<512x512xf32>, vector<64x512xf32>, vector<512x64xf32> -> vector<512x64xf32>
    %add3A_202 = vector.broadcast %slice3A_194 : vector<1x64xf32> to vector<512x64xf32>
    %add3A_203 = arith.addf %dot_general3A_201, %add3A_202 : vector<512x64xf32>
    %swap3A_204 = arith.constant 0 : index
    %swap3A_205 = arith.constant 6144 : index
    %swap3A_206 = arith.constant 0 : index
    %swap3A_207 = vector.load %arg4[%swap3A_204, %swap3A_205, %swap3A_206] : memref<1x8192x64xf32, #tpu.memory_space<vmem>>, vector<1x512x64xf32>
    %swap3A_208 = vector.shape_cast %swap3A_207 : vector<1x512x64xf32> to vector<512x64xf32>
    %swap3A_209 = vector.shape_cast %add3A_203 : vector<512x64xf32> to vector<1x512x64xf32>
    tpu.vector_store %arg4[%swap3A_204, %swap3A_205, %swap3A_206], %swap3A_209 {strides = array<i32>} : memref<1x8192x64xf32, #tpu.memory_space<vmem>>, vector<1x512x64xf32>,
    %slice3A_210 = vector.extract_strided_slice %add3A_203 {offsets = [511, 0], sizes = [1, 64], strides = [1, 1]} : vector<512x64xf32> to vector<1x64xf32>
    %get3A_211 = arith.constant 0 : index
    %get3A_212 = arith.constant 0 : index
    %get3A_213 = arith.constant 6656 : index
    %get3A_214 = vector.load %arg2[%get3A_211, %get3A_212, %get3A_213] : memref<1x64x8192xf32, #tpu.memory_space<vmem>>, vector<1x64x512xf32>
    %get3A_215 = vector.shape_cast %get3A_214 : vector<1x64x512xf32> to vector<64x512xf32>
    %dot_general3A_216 = arith.constant dense<0.000000e+00> : vector<512x64xf32>
    %dot_general3A_217 = tpu.matmul %get3A_3, %get3A_215, %dot_general3A_216 {dimension_numbers = #tpu.dot_dimension_numbers<[1], [1], [0], [0], [0, 0, 1, 0], [], []>, precision = #tpu.contract_precision<fp32>, transpose_lhs_hint = false} : vector<512x512xf32>, vector<64x512xf32>, vector<512x64xf32> -> vector<512x64xf32>
    %add3A_218 = vector.broadcast %slice3A_210 : vector<1x64xf32> to vector<512x64xf32>
    %add3A_219 = arith.addf %dot_general3A_217, %add3A_218 : vector<512x64xf32>
    %swap3A_220 = arith.constant 0 : index
    %swap3A_221 = arith.constant 6656 : index
    %swap3A_222 = arith.constant 0 : index
    %swap3A_223 = vector.load %arg4[%swap3A_220, %swap3A_221, %swap3A_222] : memref<1x8192x64xf32, #tpu.memory_space<vmem>>, vector<1x512x64xf32>
    %swap3A_224 = vector.shape_cast %swap3A_223 : vector<1x512x64xf32> to vector<512x64xf32>
    %swap3A_225 = vector.shape_cast %add3A_219 : vector<512x64xf32> to vector<1x512x64xf32>
    tpu.vector_store %arg4[%swap3A_220, %swap3A_221, %swap3A_222], %swap3A_225 {strides = array<i32>} : memref<1x8192x64xf32, #tpu.memory_space<vmem>>, vector<1x512x64xf32>,
    %slice3A_226 = vector.extract_strided_slice %add3A_219 {offsets = [511, 0], sizes = [1, 64], strides = [1, 1]} : vector<512x64xf32> to vector<1x64xf32>
    %get3A_227 = arith.constant 0 : index
    %get3A_228 = arith.constant 0 : index
    %get3A_229 = arith.constant 7168 : index
    %get3A_230 = vector.load %arg2[%get3A_227, %get3A_228, %get3A_229] : memref<1x64x8192xf32, #tpu.memory_space<vmem>>, vector<1x64x512xf32>
    %get3A_231 = vector.shape_cast %get3A_230 : vector<1x64x512xf32> to vector<64x512xf32>
    %dot_general3A_232 = arith.constant dense<0.000000e+00> : vector<512x64xf32>
    %dot_general3A_233 = tpu.matmul %get3A_3, %get3A_231, %dot_general3A_232 {dimension_numbers = #tpu.dot_dimension_numbers<[1], [1], [0], [0], [0, 0, 1, 0], [], []>, precision = #tpu.contract_precision<fp32>, transpose_lhs_hint = false} : vector<512x512xf32>, vector<64x512xf32>, vector<512x64xf32> -> vector<512x64xf32>
    %add3A_234 = vector.broadcast %slice3A_226 : vector<1x64xf32> to vector<512x64xf32>
    %add3A_235 = arith.addf %dot_general3A_233, %add3A_234 : vector<512x64xf32>
    %swap3A_236 = arith.constant 0 : index
    %swap3A_237 = arith.constant 7168 : index
    %swap3A_238 = arith.constant 0 : index
    %swap3A_239 = vector.load %arg4[%swap3A_236, %swap3A_237, %swap3A_238] : memref<1x8192x64xf32, #tpu.memory_space<vmem>>, vector<1x512x64xf32>
    %swap3A_240 = vector.shape_cast %swap3A_239 : vector<1x512x64xf32> to vector<512x64xf32>
    %swap3A_241 = vector.shape_cast %add3A_235 : vector<512x64xf32> to vector<1x512x64xf32>
    tpu.vector_store %arg4[%swap3A_236, %swap3A_237, %swap3A_238], %swap3A_241 {strides = array<i32>} : memref<1x8192x64xf32, #tpu.memory_space<vmem>>, vector<1x512x64xf32>,
    %slice3A_242 = vector.extract_strided_slice %add3A_235 {offsets = [511, 0], sizes = [1, 64], strides = [1, 1]} : vector<512x64xf32> to vector<1x64xf32>
    %get3A_243 = arith.constant 0 : index
    %get3A_244 = arith.constant 0 : index
    %get3A_245 = arith.constant 7680 : index
    %get3A_246 = vector.load %arg2[%get3A_243, %get3A_244, %get3A_245] : memref<1x64x8192xf32, #tpu.memory_space<vmem>>, vector<1x64x512xf32>
    %get3A_247 = vector.shape_cast %get3A_246 : vector<1x64x512xf32> to vector<64x512xf32>
    %dot_general3A_248 = arith.constant dense<0.000000e+00> : vector<512x64xf32>
    %dot_general3A_249 = tpu.matmul %get3A_3, %get3A_247, %dot_general3A_248 {dimension_numbers = #tpu.dot_dimension_numbers<[1], [1], [0], [0], [0, 0, 1, 0], [], []>, precision = #tpu.contract_precision<fp32>, transpose_lhs_hint = false} : vector<512x512xf32>, vector<64x512xf32>, vector<512x64xf32> -> vector<512x64xf32>
    %add3A_250 = vector.broadcast %slice3A_242 : vector<1x64xf32> to vector<512x64xf32>
    %add3A_251 = arith.addf %dot_general3A_249, %add3A_250 : vector<512x64xf32>
    %swap3A_252 = arith.constant 0 : index
    %swap3A_253 = arith.constant 7680 : index
    %swap3A_254 = arith.constant 0 : index
    %swap3A_255 = vector.load %arg4[%swap3A_252, %swap3A_253, %swap3A_254] : memref<1x8192x64xf32, #tpu.memory_space<vmem>>, vector<1x512x64xf32>
    %swap3A_256 = vector.shape_cast %swap3A_255 : vector<1x512x64xf32> to vector<512x64xf32>
    %swap3A_257 = vector.shape_cast %add3A_251 : vector<512x64xf32> to vector<1x512x64xf32>
    tpu.vector_store %arg4[%swap3A_252, %swap3A_253, %swap3A_254], %swap3A_257 {strides = array<i32>} : memref<1x8192x64xf32, #tpu.memory_space<vmem>>, vector<1x512x64xf32>,
    %slice3A_258 = vector.extract_strided_slice %add3A_251 {offsets = [511, 0], sizes = [1, 64], strides = [1, 1]} : vector<512x64xf32> to vector<1x64xf32>
    %swap3A_259 = arith.constant 0 : index
    %swap3A_260 = arith.constant 0 : index
    %swap3A_261 = vector.load %arg5[%swap3A_259, %swap3A_260] : memref<1x64xf32, #tpu.memory_space<vmem>>, vector<1x64xf32>
    tpu.vector_store %arg5[%swap3A_259, %swap3A_260], %slice3A_258 {strides = array<i32>} : memref<1x64xf32, #tpu.memory_space<vmem>>, vector<1x64xf32>,
    return
  }
  func.func @transform_0(%arg0: i32, %arg1: i32) -> (i32, i32, i32) {
    %c0_i32 = arith.constant 0 : i32
    %c0_i32_0 = arith.constant 0 : i32
    return %arg0, %c0_i32, %arg1 : i32, i32, i32
  }
  func.func @transform_1(%arg0: i32, %arg1: i32) -> (i32, i32) {
    %c0_i32 = arith.constant 0 : i32
    %c0_i32_0 = arith.constant 0 : i32
    %c0_i32_1 = arith.constant 0 : i32
    return %c0_i32, %c0_i32_0 : i32, i32
  }
  func.func @transform_2(%arg0: i32, %arg1: i32) -> (i32, i32, i32) {
    %c0_i32 = arith.constant 0 : i32
    %c0_i32_0 = arith.constant 0 : i32
    return %arg0, %arg1, %c0_i32 : i32, i32, i32
  }
}

module attributes {stable_mosaic.version = 14 : i64} {
  func.func @_fin_body(%arg0: i32, %arg1: i32, %arg2: memref<1x8192x64xf32, #tpu.memory_space<vmem>>, %arg3: memref<1x1x64xf32, #tpu.memory_space<vmem>>, %arg4: memref<1x1x8192xi32, #tpu.memory_space<vmem>>, %arg5: memref<1x1x1xi32, #tpu.memory_space<vmem>>, %arg6: memref<64x64xf32, #tpu.memory_space<vmem>>, %arg7: memref<1x64x8192xf32, #tpu.memory_space<vmem>>) attributes {dimension_semantics = [#tpu.dimension_semantics<arbitrary>, #tpu.dimension_semantics<arbitrary>], iteration_bounds = array<i64: 8, 4>, scalar_prefetch = 0 : i64, scratch_operands = 0 : i64, tpu.core_type = #tpu.core_type<tc>, window_params = [{transform_indices = @transform_0, window_bounds = array<i64: 1, 8192, 64>}, {transform_indices = @transform_1, window_bounds = array<i64: 1, 1, 64>}, {transform_indices = @transform_2, window_bounds = array<i64: 1, 1, 8192>}, {transform_indices = @transform_3, window_bounds = array<i64: 1, 1, 1>}, {pipeline_mode = #tpu.pipeline_mode<synchronous>, transform_indices = @transform_4, window_bounds = array<i64: 64, 64>}, {transform_indices = @transform_5, window_bounds = array<i64: 1, 64, 8192>}]} {
    %get3A = arith.constant 0 : index
    %get3A_0 = arith.constant 0 : index
    %get3A_1 = arith.constant 0 : index
    %get3A_2 = vector.load %arg2[%get3A, %get3A_0, %get3A_1] : memref<1x8192x64xf32, #tpu.memory_space<vmem>>, vector<1x8192x64xf32>
    %get3A_3 = vector.shape_cast %get3A_2 : vector<1x8192x64xf32> to vector<8192x64xf32>
    %get3A_4 = arith.constant 0 : index
    %get3A_5 = arith.constant 0 : index
    %get3A_6 = vector.load %arg6[%get3A_4, %get3A_5] : memref<64x64xf32, #tpu.memory_space<vmem>>, vector<64x64xf32>
    %dot_general3A = arith.constant dense<0.000000e+00> : vector<64x8192xf32>
    %dot_general3A_7 = tpu.matmul %get3A_6, %get3A_3, %dot_general3A {dimension_numbers = #tpu.dot_dimension_numbers<[1], [1], [0], [0], [0, 0, 1, 0], [], []>, precision = #tpu.contract_precision<fp32>, transpose_lhs_hint = false} : vector<64x64xf32>, vector<8192x64xf32>, vector<64x8192xf32> -> vector<64x8192xf32>
    %get3A_8 = arith.constant 0 : index
    %get3A_9 = arith.constant 0 : index
    %get3A_10 = arith.constant 0 : index
    %get3A_11 = vector.load %arg3[%get3A_8, %get3A_9, %get3A_10] : memref<1x1x64xf32, #tpu.memory_space<vmem>>, vector<1x1x64xf32>
    %get3A_12 = vector.shape_cast %get3A_11 : vector<1x1x64xf32> to vector<1x64xf32>
    %dot_general3A_13 = arith.constant dense<0.000000e+00> : vector<64x1xf32>
    %dot_general3A_14 = tpu.matmul %get3A_6, %get3A_12, %dot_general3A_13 {dimension_numbers = #tpu.dot_dimension_numbers<[1], [1], [0], [0], [0, 0, 1, 0], [], []>, precision = #tpu.contract_precision<fp32>, transpose_lhs_hint = false} : vector<64x64xf32>, vector<1x64xf32>, vector<64x1xf32> -> vector<64x1xf32>
    %get3A_15 = arith.constant 0 : index
    %get3A_16 = arith.constant 0 : index
    %get3A_17 = arith.constant 0 : index
    %get3A_18 = vector.load %arg4[%get3A_15, %get3A_16, %get3A_17] : memref<1x1x8192xi32, #tpu.memory_space<vmem>>, vector<1x1x8192xi32>
    %get3A_19 = vector.shape_cast %get3A_18 : vector<1x1x8192xi32> to vector<1x8192xi32>
    %eq3A = arith.constant 0 : i32
    %eq3A_20 = arith.cmpi eq, %arg1, %eq3A : i32
    %get3A_21 = arith.constant 0 : index
    %get3A_22 = arith.constant 0 : index
    %get3A_23 = arith.constant 0 : index
    %get3A_24 = vector.load %arg5[%get3A_21, %get3A_22, %get3A_23] : memref<1x1x1xi32, #tpu.memory_space<vmem>>, vector<1x1x1xi32>
    %get3A_25 = vector.extract %get3A_24[0, 0, 0] : i32 from vector<1x1x1xi32>
    %jit3A = arith.constant 0 : i32
    %select_n3A = arith.select %eq3A_20, %jit3A, %get3A_25 : i32
    %broadcast_in_dim3A = vector.broadcast %select_n3A : i32 to vector<1x1xi32>
    %slice3A = vector.extract_strided_slice %get3A_19 {offsets = [0, 0], sizes = [1, 8191], strides = [1, 1]} : vector<1x8192xi32> to vector<1x8191xi32>
    %concatenate3A = tpu.concatenate %broadcast_in_dim3A, %slice3A in 1 : vector<1x1xi32>, vector<1x8191xi32> -> vector<1x8192xi32>
    %sub3A = arith.subi %get3A_19, %concatenate3A : vector<1x8192xi32>
    %gt3A = arith.constant 0 : i32
    %gt3A_26 = vector.broadcast %gt3A : i32 to vector<1x8192xi32>
    %gt3A_27 = arith.cmpi sgt, %sub3A, %gt3A_26 : vector<1x8192xi32>
    %slice3A_28 = vector.extract_strided_slice %dot_general3A_7 {offsets = [0, 0], sizes = [64, 8191], strides = [1, 1]} : vector<64x8192xf32> to vector<64x8191xf32>
    %concatenate3A_29 = tpu.concatenate %dot_general3A_14, %slice3A_28 in 1 : vector<64x1xf32>, vector<64x8191xf32> -> vector<64x8192xf32>
    %ge3A = arith.constant 1 : i32
    %ge3A_30 = vector.broadcast %ge3A : i32 to vector<1x8192xi32>
    %ge3A_31 = arith.cmpi sge, %concatenate3A, %ge3A_30 : vector<1x8192xi32>
    %jit3A_32 = arith.constant 0.000000e+00 : f32
    %broadcast_in_dim3A_33 = vector.shape_cast %ge3A_31 : vector<1x8192xi1> to vector<1x8192xi1>
    %broadcast_in_dim3A_34 = vector.broadcast %broadcast_in_dim3A_33 : vector<1x8192xi1> to vector<64x8192xi1>
    %broadcast_in_dim3A_35 = vector.broadcast %jit3A_32 : f32 to vector<64x8192xf32>
    %select_n3A_36 = arith.select %broadcast_in_dim3A_34, %concatenate3A_29, %broadcast_in_dim3A_35 : vector<64x8192xi1>, vector<64x8192xf32>
    %ge3A_37 = arith.constant 1 : i32
    %ge3A_38 = vector.broadcast %ge3A_37 : i32 to vector<1x8192xi32>
    %ge3A_39 = arith.cmpi sge, %get3A_19, %ge3A_38 : vector<1x8192xi32>
    %jit3A_40 = arith.constant 0.000000e+00 : f32
    %broadcast_in_dim3A_41 = vector.shape_cast %ge3A_39 : vector<1x8192xi1> to vector<1x8192xi1>
    %broadcast_in_dim3A_42 = vector.broadcast %broadcast_in_dim3A_41 : vector<1x8192xi1> to vector<64x8192xi1>
    %broadcast_in_dim3A_43 = vector.broadcast %jit3A_40 : f32 to vector<64x8192xf32>
    %select_n3A_44 = arith.select %broadcast_in_dim3A_42, %dot_general3A_7, %broadcast_in_dim3A_43 : vector<64x8192xi1>, vector<64x8192xf32>
    %sub3A_45 = arith.subf %select_n3A_44, %select_n3A_36 : vector<64x8192xf32>
    %max3A = arith.constant 1 : i32
    %max3A_46 = vector.broadcast %max3A : i32 to vector<1x8192xi32>
    %max3A_47 = arith.maxsi %sub3A, %max3A_46 : vector<1x8192xi32>
    %convert_element_type3A = arith.sitofp %max3A_47 : vector<1x8192xi32> to vector<1x8192xf32>
    %div3A = vector.broadcast %convert_element_type3A : vector<1x8192xf32> to vector<64x8192xf32>
    %div3A_48 = arith.divf %sub3A_45, %div3A : vector<64x8192xf32>
    %jit3A_49 = arith.constant 0.000000e+00 : f32
    %broadcast_in_dim3A_50 = vector.shape_cast %gt3A_27 : vector<1x8192xi1> to vector<1x8192xi1>
    %broadcast_in_dim3A_51 = vector.broadcast %broadcast_in_dim3A_50 : vector<1x8192xi1> to vector<64x8192xi1>
    %broadcast_in_dim3A_52 = vector.broadcast %jit3A_49 : f32 to vector<64x8192xf32>
    %select_n3A_53 = arith.select %broadcast_in_dim3A_51, %div3A_48, %broadcast_in_dim3A_52 : vector<64x8192xi1>, vector<64x8192xf32>
    %swap3A = arith.constant 0 : index
    %swap3A_54 = arith.constant 0 : index
    %swap3A_55 = arith.constant 0 : index
    %swap3A_56 = vector.load %arg7[%swap3A, %swap3A_54, %swap3A_55] : memref<1x64x8192xf32, #tpu.memory_space<vmem>>, vector<1x64x8192xf32>
    %swap3A_57 = vector.shape_cast %swap3A_56 : vector<1x64x8192xf32> to vector<64x8192xf32>
    %swap3A_58 = vector.shape_cast %select_n3A_53 : vector<64x8192xf32> to vector<1x64x8192xf32>
    tpu.vector_store %arg7[%swap3A, %swap3A_54, %swap3A_55], %swap3A_58 {strides = array<i32>} : memref<1x64x8192xf32, #tpu.memory_space<vmem>>, vector<1x64x8192xf32>,
    return
  }
  func.func @transform_0(%arg0: i32, %arg1: i32) -> (i32, i32, i32) {
    %c0_i32 = arith.constant 0 : i32
    %c0_i32_0 = arith.constant 0 : i32
    return %arg0, %arg1, %c0_i32 : i32, i32, i32
  }
  func.func @transform_1(%arg0: i32, %arg1: i32) -> (i32, i32, i32) {
    %mul3A = arith.constant 4 : i32
    %mul3A_0 = arith.muli %arg0, %mul3A : i32
    %sub3A = arith.constant 1 : i32
    %sub3A_1 = arith.subi %arg1, %sub3A : i32
    %max3A = arith.constant 0 : i32
    %max3A_2 = arith.maxsi %sub3A_1, %max3A : i32
    %add3A = arith.addi %mul3A_0, %max3A_2 : i32
    %c0_i32 = arith.constant 0 : i32
    %c0_i32_3 = arith.constant 0 : i32
    %c0_i32_4 = arith.constant 0 : i32
    return %add3A, %c0_i32, %c0_i32_3 : i32, i32, i32
  }
  func.func @transform_2(%arg0: i32, %arg1: i32) -> (i32, i32, i32) {
    %mul3A = arith.constant 4 : i32
    %mul3A_0 = arith.muli %arg0, %mul3A : i32
    %add3A = arith.addi %mul3A_0, %arg1 : i32
    %c0_i32 = arith.constant 0 : i32
    %c0_i32_1 = arith.constant 0 : i32
    %c0_i32_2 = arith.constant 0 : i32
    return %add3A, %c0_i32, %c0_i32_1 : i32, i32, i32
  }
  func.func @transform_3(%arg0: i32, %arg1: i32) -> (i32, i32, i32) {
    %mul3A = arith.constant 4 : i32
    %mul3A_0 = arith.muli %arg0, %mul3A : i32
    %sub3A = arith.constant 1 : i32
    %sub3A_1 = arith.subi %arg1, %sub3A : i32
    %max3A = arith.constant 0 : i32
    %max3A_2 = arith.maxsi %sub3A_1, %max3A : i32
    %add3A = arith.addi %mul3A_0, %max3A_2 : i32
    %c0_i32 = arith.constant 0 : i32
    %c0_i32_3 = arith.constant 0 : i32
    %c0_i32_4 = arith.constant 0 : i32
    return %add3A, %c0_i32, %c0_i32_3 : i32, i32, i32
  }
  func.func @transform_4(%arg0: i32, %arg1: i32) -> (i32, i32) {
    %c0_i32 = arith.constant 0 : i32
    %c0_i32_0 = arith.constant 0 : i32
    %c0_i32_1 = arith.constant 0 : i32
    return %c0_i32, %c0_i32_0 : i32, i32
  }
  func.func @transform_5(%arg0: i32, %arg1: i32) -> (i32, i32, i32) {
    %c0_i32 = arith.constant 0 : i32
    %c0_i32_0 = arith.constant 0 : i32
    return %arg0, %c0_i32, %arg1 : i32, i32, i32
  }
}

</mosaic_0001>

<sc_bundles>
// kernel: kernel.6.cloned.1.call-start
scs
__scs_entry_jumppad:
0x0: {  	(pc) =	sbr.rel $0x88, $3  }
0x1: {  	(tag) =	ssettag $0x0;
	lr =	simm.s32 $0x1  }
0x2: {  	[smem:$0x3F9F] =	sst lr;
	_ =	strace $0xD0000000  }
0x3: {  	_ = 	snop  }
0x4: {  	_ = 	snop  }
0x5: {  	_ = 	snop  }
0x6: {  	_ = 	snop  }
0x7: {  	_ = 	snop  }
__scs_overlays_trampoline_lowered:
0x8: {  	[smem:$0x3FAE] =	sst s0  }
0x9: {  	[smem:$0x3FAF] =	sst s1  }
0xa: {  	[smem:$0x3FB0] =	sst s2  }
0xb: {  	[smem:$0x3FB1] =	sst s3  }
0xc: {  	[smem:$0x3FB2] =	sst s4  }
0xd: {  	[smem:$0x3FB3] =	sst s5  }
0xe: {  	[smem:$0x3FB4] =	sst s6  }
0xf: {  	[smem:$0x3FB5] =	sst s7  }
0x10: {  	[smem:$0x3FB6] =	sst s8  }
0x11: {  	[smem:$0x3FB7] =	sst s9;
	s0 =	simm.s32 @!p0 $0x0  }
0x12: {  	s1 =	sld [smem:$0x3F9D];
	s0 =	simm.s32 @p0 $0x1  }
0x13: {  	[smem:$0x3FB8] =	sst s0;
	s0 =	simm.s32 @!p1 $0x0  }
0x14: {  	s2 =	sld [smem:$0x3F9C];
	s0 =	simm.s32 @p1 $0x1  }
0x15: {  	[smem:$0x3FB9] =	sst s0;
	s0 =	simm.s32 @!p2 $0x0  }
0x16: {  	s3 =	sld [smem:$0x3FDB];
	s0 =	simm.s32 @p2 $0x1  }
0x17: {  	s4 =	simm.s32 $0x1BF5;
	[smem:$0x3FBB] =	sst s0  }
0x18: {  	s0 =	sld [smem:$0x3F9E];
	_ =	swait.ge [sflag:s4], $0x0  }
0x19: {  	s7 =	sld [smem:$0x3F9F]  }
0x1a: {  	s8 =	sadd.s32 $0xFFFFE003, lr  }
0x1b: {  	s9 =	sadd.s32 $0xFFFFFEF7, lr;
	s5 =	simm.s32 $0xFFFFFFFF;
	p2 =	slt.u32 s8, $0xFFFFF086  }
0x1c: {  	p1 =	slt.u32 s9, $0xF7A;
	s5 =	simm.s32 @!p2 $0x0  }
0x1d: {  	s5 =	simm.s32 @p1 $0x1;
	p0 =	seq.s32 s7, s2  }
0x1e: {  	s7 =	smul.u32 @!p0 $0xF7A, s2;
	p2 =	seq.s32 @!p0 s5, $0x0  }
0x1f: {  	s9 =	smul.u32 $0xF7A, s1;
	s8 =	simm.s32 @!p0 $0x1BF5;
	p2 =	por !p2, p0  }
0x20: {  	[sflag:s8] =	ssyncset.s32 @!p0 $0xFFFFF086;
	s6 =	sadd.s32 @!p0 s3, s7;
	s7 =	simm.s32 @!p0 $0x108  }
0x21: {  	s3 =	sadd.s32 s3, s9;
	s6 =	sadd.s32 @!p0 $0x88, s6;
	s7 =	simm.s32 @p2 $0x1082  }
0x22: {  	[simem:s7], [sflag:s8] =	dma.local @!p0 [hbm:s6], $0xF7A  }
0x23: {  	s9 =	sor.u32 $0xD0000000, s2;
	s6 =	simm.s32 $0x108;
	_ =	swait.ge @!p0 [sflag:s8], $0x0  }
0x24: {  	s3 =	sadd.s32 $0x88, s3;
	s6 =	simm.s32 @!p1 $0x1082;
	[sflag:s4] =	ssyncset.s32 $0xFFFFF086  }
0x25: {  	[simem:s6], [sflag:s4] =	dma.local [hbm:s3], $0xF7A  }
0x26: {  	[smem:$0x3F9F] =	sst s1;
	(tag) =	ssettag s2;
	_ =	strace s9  }
0x27: {  	s1 =	sld [smem:$0x3FAF]  }
0x28: {  	s2 =	sld [smem:$0x3FB0]  }
0x29: {  	s4 =	sld [smem:$0x3FB2]  }
0x2a: {  	p0 =	seq.s32 s5, $0x0;
	s5 =	sld [smem:$0x3FB3]  }
0x2b: {  	s6 =	sld [smem:$0x3FB4]  }
0x2c: {  	s7 =	sld [smem:$0x3FB5]  }
0x2d: {  	s3 =	simm.s32 $0x108;
	s8 =	sld [smem:$0x3FB6]  }
0x2e: {  	s3 =	simm.s32 @!p0 $0x1082;
	s9 =	sld [smem:$0x3FB7]  }
0x2f: {  	lr =	sadd.s32 s0, s3;
	s0 =	sld [smem:$0x3FAE]  }
0x30: {  	s3 =	sld [smem:$0x3FB1]  }
0x31: {  	[smem:$0x3FBA] =	sst s10  }
0x32: {  	s10 =	sld [smem:$0x3FB8];
	_ =	sdelay $0x3  }
0x33: {  	p0 =	seq.s32 s10, $0x1;
	s10 =	sld [smem:$0x3FBA];
	_ =	sdelay $0x3  }
0x34: {  	[smem:$0x3FBA] =	sst s10  }
0x35: {  	s10 =	sld [smem:$0x3FB9];
	_ =	sdelay $0x3  }
0x36: {  	p1 =	seq.s32 s10, $0x1;
	s10 =	sld [smem:$0x3FBA];
	_ =	sdelay $0x3  }
0x37: {  	[smem:$0x3FBA] =	sst s10  }
0x38: {  	s10 =	sld [smem:$0x3FBB]  }
0x39: {  	_ = 	snop;
	(pc) =	sbr.ind lr, $3  }
0x3a: {  	_ = 	snop  }
0x3b: {  	_ = 	snop  }
0x3c: {  	p2 =	seq.s32 s10, $0x1;
	s10 =	sld [smem:$0x3FBA]  }
0x3d: {  	_ =	shalt  }
0x3e: {  	_ =	shalt  }
0x3f: {  	_ =	shalt  }
0x40: {  	_ =	shalt  }
0x41: {  	_ =	shalt  }
0x42: {  	_ =	shalt  }
0x43: {  	_ =	shalt  }
0x44: {  	_ =	shalt  }
0x45: {  	_ =	shalt  }
0x46: {  	_ =	shalt  }
0x47: {  	_ =	shalt  }
0x48: {  	_ =	shalt  }
0x49: {  	_ =	shalt  }
0x4a: {  	_ =	shalt  }
0x4b: {  	_ =	shalt  }
0x4c: {  	_ =	shalt  }
0x4d: {  	_ =	shalt  }
0x4e: {  	_ =	shalt  }
0x4f: {  	_ =	shalt  }
0x50: {  	_ =	shalt  }
0x51: {  	_ =	shalt  }
0x52: {  	_ =	shalt  }
0x53: {  	_ =	shalt  }
0x54: {  	_ =	shalt  }
0x55: {  	_ =	shalt  }
0x56: {  	_ =	shalt  }
0x57: {  	_ =	shalt  }
0x58: {  	_ =	shalt  }
0x59: {  	_ =	shalt  }
0x5a: {  	_ =	shalt  }
0x5b: {  	_ =	shalt  }
0x5c: {  	_ =	shalt  }
0x5d: {  	_ =	shalt  }
0x5e: {  	_ =	shalt  }
0x5f: {  	_ =	shalt  }
0x60: {  	_ =	shalt  }
0x61: {  	_ =	shalt  }
0x62: {  	_ =	shalt  }
0x63: {  	_ =	shalt  }
0x64: {  	_ =	shalt  }
0x65: {  	_ =	shalt  }
0x66: {  	_ =	shalt  }
0x67: {  	_ =	shalt  }
0x68: {  	_ =	shalt  }
0x69: {  	_ =	shalt  }
0x6a: {  	_ =	shalt  }
0x6b: {  	_ =	shalt  }
0x6c: {  	_ =	shalt  }
0x6d: {  	_ =	shalt  }
0x6e: {  	_ =	shalt  }
0x6f: {  	_ =	shalt  }
0x70: {  	_ =	shalt  }
0x71: {  	_ =	shalt  }
0x72: {  	_ =	shalt  }
0x73: {  	_ =	shalt  }
0x74: {  	_ =	shalt  }
0x75: {  	_ =	shalt  }
0x76: {  	_ =	shalt  }
0x77: {  	_ =	shalt  }
0x78: {  	_ =	shalt  }
0x79: {  	_ =	shalt  }
0x7a: {  	_ =	shalt  }
0x7b: {  	_ =	shalt  }
0x7c: {  	_ =	shalt  }
0x7d: {  	_ =	shalt  }
0x7e: {  	_ =	shalt  }
0x7f: {  	_ =	shalt  }
0x80: {  	_ =	shalt  }
0x81: {  	_ =	shalt  }
0x82: {  	_ =	shalt  }
0x83: {  	_ =	shalt  }
0x84: {  	_ =	shalt  }
0x85: {  	_ =	shalt  }
0x86: {  	_ =	shalt  }
0x87: {  	_ =	shalt  }
.Lfunc_end0:
.L_simem_size_0:
called_computation_lowered:
.L_overlay_start_0:
0x88: {  	s2 =	sld [smem:$0x3FD9]  }
0x89: {  	s3 =	sld [smem:$0x3FFE];
	_ =	sdelay $0x1  }
0x8a: {  	s1 =	srdreg.scid  }
0x8b: {  	s0 =	sand.u32 $0x1, s1  }
0x8c: {  	s16 =	sshll.u32 s0, $0xA;
	s2 =	sadd.s32 s3, s2  }
0x8d: {  	s2 =	sadd.s32 s2, s16  }
0x8e: {  	[smem:$0x3FC6] =	sst s2  }
0x8f: {  	_ = 	snop  }
0x90: {  	(tm) =	ssettm $0x1  }
0x91: {  	s17 =	sld [smem:$0x3FFB];
	_ =	sdelay $0x3  }
0x92: {  	_ =	strace s17  }
0x93: {  	s2 =	sld [smem:$0x3FFC];
	_ =	sdelay $0x3  }
0x94: {  	_ =	strace s2  }
0x95: {  	s2 =	sld [smem:$0x3FFD];
	_ =	sdelay $0x3  }
0x96: {  	_ =	strace s2  }
0x97: {  	_ =	strace $0x8FFFFFFF  }
0x98: {  	s18 =	sld [smem:$0x3FDB];
	_ =	sdelay $0x1  }
0x99: {  	s19 =	simm.s32 $_scs_section_size  }
0x9a: {  	s4 =	simm.s32 $_size__tile_overlayer_lowered;
	s5 =	simm.s32 $_tile_overlayer_lowered  }
0x9b: {  	s22 =	simm.s32 $0x1BFF;
	s21 =	sshll.u32 s5, $0x1;
	s2 =	sadd.s32 s19, s18  }
0x9c: {  	s6 =	simm.s32 $0x0;
	s20 =	sshll.u32 s4, $0x1;
	s4 =	sadd.s32 s21, s2  }
0x9d: {  	[timem:s6], [sflag:s22] =	dma.local [hbm:s4], s20  }
0x9e: {  	_ =	swait.ge [sflag:s22], s20  }
0x9f: {  	s3 =	ssub.s32 $0x0, s20;
	[sflag:s22] =	ssyncset.done $0x0  }
0xa0: {  	[sflag:s22] =	ssyncadd.s32 s3;
	_ =	sdelay $0x1  }
0xa1: {  	s23 =	simm.s32 $0x1B8B  }
0xa2: {  	_ =	swait.ge [sflag:s23], $0x1  }
0xa3: {  	[sflag:s23] =	ssyncset.done $0x0  }
0xa4: {  	s25 =	simm.s32 $0x1B8E;
	s24 =	sld [smem:$0x3FFE];
	[sflag:s23] =	ssyncadd.s32 $0xFFFFFFFF  }
0xa5: {  	s26 =	simm.s32 $execute0_lowered;
	[smem:$0x3FD2] =	sst s25  }
0xa6: {  	s4 =	sshll.u32 s26, $0x1;
	_ =	strace $0x80000046;
	[dreg:$0x1] =	wrdreg $0xFFFFFFFF  }
0xa7: {  	s28 =	simm.s32 $_size_execute0_lowered;
	s2 =	sadd.s32 s2, s4;
	[dreg:$0x0] =	wrdreg $0x0  }
0xa8: {  	s4 =	sshll.u32 s28, $0x1;
	[dreg:$0x2] =	wrdreg s2  }
0xa9: {  	[dreg:$0x3] =	wrdreg s4  }
0xaa: {  	[dreg:$0x4] =	wrdreg $0xC0  }
0xab: {  	_ =	task [dreg:s6], $0x5FFFF  }
0xac: {  	[dreg:$0x1] =	wrdreg $0xFFFFFFFF  }
0xad: {  	[dreg:$0x0] =	wrdreg $0x60  }
0xae: {  	[dreg:$0x2] =	wrdreg s24  }
0xaf: {  	[dreg:$0x3] =	wrdreg $0x9  }
0xb0: {  	_ =	task.clear_ibuf [dreg:s6], $0x4FFFF;
	_ =	strace $0x90000046  }
0xb1: {  	s29 =	simm.s32 $0x9;
	_ =	strace $0x80000048  }
0xb2: {  	_ =	swait.ge [sflag:s29], $0x1  }
0xb3: {  	[sflag:s29] =	ssyncadd.s32 $0xFFFFFFFF  }
0xb4: {  	_ =	strace $0x90000048  }
0xb5: {  	_ =	sfence  }
0xb6: {  	s30 =	sld [smem:$0x0];
	_ =	sdelay $0x2  }
0xb7: {  	s31 =	sshll.u32 s1, $0xD;
	s1 =	sshrl.u32 s1, $0x2  }
0xb8: {  	s3 =	sand.u32 $0x4000, s31;
	s1 =	sadd.s32 s1, s30  }
0xb9: {  	s0 =	sor.u32 s3, s0;
	s1 =	sshll.u32 s1, $0x11  }
0xba: {  	s0 =	sor.u32 s1, s0  }
0xbb: {  	s0 =	sadd.s32 $0x8F2B, s0  }
0xbc: {  	[sflag:s0] =	ssyncadd.remote.s32 $0x1  }
0xbd: {  	_ =	sfence.sel $0xFFFF  }
0xbe: {  	[dreg:$0x0] =	wrdreg $0xFFFFFFFF;
	(pc) =	sbr.abs _section_cstart, $3  }
0xbf: {  	[dreg:$0x1] =	wrdreg $0xFFFFFFFF  }
0xc0: {  	_ =	task.clear_ibuf [dreg:s6], $0x2FFFF;
	_ =	strace $0x9FFFFFFF  }
0xc1: {  	(tm) =	ssettm $0x7FFFFFFF  }
tec
execute0_lowered:
.L_overlay_start_1:
0x0: {  	(tag) =	ssettag $0x1  }
0x1: {  	s1 =	stileid.u32  }
0x2: {  	p0 =	sgt.u32 s1, $0x3  }
.Ltmp0:
0x3: {  	_ = 	snop;
	(pc) =	sbr.rel @p0 .LBB2_9-.Ltmp0, $4  }
0x4: {  	_ = 	snop  }
0x5: {  	s4 =	rddreg [dreg:$0x0];
	s2 =	simm.s32 $0x0  }
0x6: {  	[smem:$0x7FF] =	sst s2  }
0x7: {  	s0 =	rddreg [dreg:$0x1];
	_ =	strace $0x80000047  }
0x8: {  	s3 =	srdreg.scid  }
0x9: {  	v0 =	vimm.s32 $0x0;
	v1 =	vimm.s32 $0x1;
	s3 =	sand.u32 $0x1, s3  }
0xa: {  	s5 =	sshll.u32 s1, $0xD;
	vm0 =	vcmask $0x704;
	vm1 =	vcmask $0xB08;
	vm2 =	vcmask $0xF0C;
	s6 =	sshll.u32 s3, $0xC  }
0xb: {  	vm3 =	vcmask $0x1310;
	vm4 =	vcmask $0x1714;
	vm5 =	vcmask $0x1B18;
	s3 =	ssub.s32 $0x2, s3;
	s5 =	sor.u32 s6, s5  }
0xc: {  	vm6 =	vcmask $0x1F1C;
	vm7 =	vcmask $0x2320;
	vm8 =	vcmask $0x2724;
	s8 =	simm.s32 $0x0;
	s31 =	sshrl.u32 s3, $0x1;
	s7 =	sadd.s32 s5, s4  }
0xd: {  	vm9 =	vcmask $0x2B28;
	vm10 =	vcmask $0x2F2C;
	vm11 =	vcmask $0x3330;
	s6 =	ssub.s32 s3, s31;
	s4 =	sadd.s32 s4, s5;
	s3 =	sadd.s32 $0x8000, s7  }
0xe: {  	vm12 =	vcmask $0x3734;
	vm13 =	vcmask $0x3B38;
	vm14 =	vcmask $0x3F3C;
	s5 =	smax.u32 s6, $0x1;
	s6 =	simm.s32 $0x1;
	s7 =	simm.s32 $0x8000  }
.LBB2_2:
0xf: {  	s9 =	simm.s32 $0x0  }
0x10: {  	[tilespmem:s9], [sflag:$0x1] =	stream.linear.gather [hbm4b:s4+s9], $0x8000, $0x38;
	[tilespmem:$0x10000] =	vst v63  }
0x11: {  	_ =	swait.ge [sflag:s6], $0x8000  }
0x12: {  	[sflag:s6] =	ssyncset.done $0x0  }
0x13: {  	s10 =	simm.s32 $0x40;
	s11 =	simm.s32 $0x0;
	[sflag:s6] =	ssyncadd.s32 $0xFFFF8000  }
.LBB2_3:
0x14: {  	p0 =	sne.s32 s10, $0x1FFC0;
	[tilespmem:s11+$0x8000] =	vst v0;
	s11 =	smov.u32 s10;
	s10 =	sadd.s32 $0x40, s10  }
.Ltmp1:
0x15: {  	(pc) =	sbr.rel @p0 .LBB2_3-.Ltmp1, $2  }
0x16: {  	_ =	sdelay $0x2  }
0x17: {  	s11 =	sshra.s32 s11, $0x2  }
0x18: {  	[tilespmem:s11+$0x8000] =	vst v0  }
.LBB2_5:
0x19: {  	s10 =	sshra.s32 s9, $0x2  }
0x1a: {  	v2 =	vld [tilespmem:s10+$0x0];
	_ =	sdelay $0x7  }
0x1b: {  	[tilespmem:v2+s7+$0x0] =	vst.idx.add.s32.msk $0x1, v1  }
0x1c: {  	[tilespmem:v2+s7+$0x0] =	vst.idx.add.s32.msk vm0, v1  }
0x1d: {  	[tilespmem:v2+s7+$0x0] =	vst.idx.add.s32.msk vm1, v1  }
0x1e: {  	[tilespmem:v2+s7+$0x0] =	vst.idx.add.s32.msk vm2, v1  }
0x1f: {  	[tilespmem:v2+s7+$0x0] =	vst.idx.add.s32.msk vm3, v1  }
0x20: {  	[tilespmem:v2+s7+$0x0] =	vst.idx.add.s32.msk vm4, v1  }
0x21: {  	[tilespmem:v2+s7+$0x0] =	vst.idx.add.s32.msk vm5, v1  }
0x22: {  	[tilespmem:v2+s7+$0x0] =	vst.idx.add.s32.msk vm6, v1  }
0x23: {  	[tilespmem:v2+s7+$0x0] =	vst.idx.add.s32.msk vm7, v1  }
0x24: {  	[tilespmem:v2+s7+$0x0] =	vst.idx.add.s32.msk vm8, v1  }
0x25: {  	p0 =	sne.s32 s9, $0x1FFC0;
	[tilespmem:v2+s7+$0x0] =	vst.idx.add.s32.msk vm9, v1  }
.Ltmp2:
0x26: {  	[tilespmem:v2+s7+$0x0] =	vst.idx.add.s32.msk vm10, v1;
	(pc) =	sbr.rel @p0 .LBB2_5-.Ltmp2, $4  }
0x27: {  	[tilespmem:v2+s7+$0x0] =	vst.idx.add.s32.msk vm11, v1  }
0x28: {  	[tilespmem:v2+s7+$0x0] =	vst.idx.add.s32.msk vm12, v1  }
0x29: {  	[tilespmem:v2+s7+$0x0] =	vst.idx.add.s32.msk vm13, v1  }
0x2a: {  	s9 =	sadd.s32 $0x40, s9;
	[tilespmem:v2+s7+$0x0] =	vst.idx.add.s32.msk vm14, v1  }
0x2b: {  	s10 =	simm.s32 $0x0  }
0x2c: {  	s9 =	simm.s32 $0x10;
	v2 =	vld [tilespmem:s10+$0x8000]  }
0x2d: {  	v3 =	vld [tilespmem:s9+$0x8000];
	_ =	sdelay $0x3  }
0x2e: {  	(xrf0) =	vadd.scan.msk.s32 $0xffff, v2  }
0x2f: {  	(xrf0) =	vadd.scan.msk.s32 $0xffff, v3;
	_ =	sdelay $0x4  }
0x30: {  	s11 =	simm.s32 $0x20;
	v3, _, _ =	vpop (xrf0)  }
0x31: {  	v4 =	vld [tilespmem:s11+$0x8000];
	(v2sf) =	vpush v3, $0xF;
	v2, _, _ =	vpop (xrf0)  }
0x32: {  	(v2sf) =	vpush v2, $0xF;
	_ =	sdelay $0x3  }
0x33: {  	s12 =	simm.s32 $0x30;
	(xrf0) =	vadd.scan.msk.s32 $0xffff, v4  }
0x34: {  	v4 =	vld [tilespmem:s12+$0x8000];
	_ =	sdelay $0x3  }
0x35: {  	s13 =	simm.s32 $0x0;
	s14 =	simm.s32 $0x100  }
.LBB2_7:
0x36: {  	s15 =	sshra.s32 s14, $0x2;
	p0 =	sne.s32 s14, $0x1FFC0;
	s14 =	sadd.s32 $0x40, s14;
	(xrf0) =	vadd.scan.msk.s32 $0xffff, v4;
	v5 =	vadd.s32 s13, v3;
	v3 =	vmov v2;
	v2, _, _ =	vpop (xrf0)  }
.Ltmp3:
0x37: {  	v4 =	vld [tilespmem:s15+$0x8000];
	(v2sf) =	vpush v2, $0xF;
	[tilespmem:s10+$0x0] =	vst v5;
	s10 =	smov.u32 s9;
	s9 =	smov.u32 s11;
	(pc) =	sbr.rel @p0 .LBB2_7-.Ltmp3, $3  }
0x38: {  	s11 =	smov.u32 s12;
	s12 =	smov.u32 s15;
	_ =	sdelay $0x1  }
0x39: {  	s15 =	spop (v2sf)  }
0x3a: {  	s13 =	sadd.s32 s13, s15  }
0x3b: {  	(xrf0) =	vadd.scan.msk.s32 $0xffff, v4;
	v63, _, _ =	vpop (xrf0)  }
0x3c: {  	(v2sf) =	vpush v63, $0xF;
	_ =	sdelay $0x4  }
0x3d: {  	v5, _, _ =	vpop (xrf0)  }
0x3e: {  	(v2sf) =	vpush v5, $0xF;
	_ =	sdelay $0x6  }
0x3f: {  	s14 =	spop (v2sf)  }
0x40: {  	v3 =	vadd.s32 s13, v3;
	s25 =	sadd.s32 s13, s14;
	s26 =	spop (v2sf)  }
0x41: {  	[tilespmem:s10+$0x0] =	vst v3;
	v2 =	vadd.s32 s25, v2;
	s28 =	sadd.s32 s25, s26;
	s29 =	spop (v2sf)  }
0x42: {  	[tilespmem:s9+$0x0] =	vst v2;
	v2 =	vadd.s32 s28, v63;
	s30 =	sadd.s32 s28, s29  }
0x43: {  	s8 =	sadd.s32 $0x1, s8;
	[tilespmem:s11+$0x0] =	vst v2;
	v2 =	vadd.s32 s30, v5  }
0x44: {  	p0 =	sne.s32 s8, s5;
	[tilespmem:s12+$0x0] =	vst v2  }
0x45: {  	[hbm4b:s3+s2] =	stream.linear.scatter [tilespmem:s2], [sflag:$0x1], $0x8000, $0x38;
	[tilespmem:$0x10000] =	vst v63  }
.Ltmp4:
0x46: {  	_ = 	snop;
	(pc) =	sbr.rel @p0 .LBB2_2-.Ltmp4, $4  }
0x47: {  	s31 =	spop (v2sf)  }
0x48: {  	_ =	swait.ge [sflag:s6], $0x8000  }
0x49: {  	[sflag:s6] =	ssyncset.done $0x0  }
0x4a: {  	[sflag:s6] =	ssyncadd.s32 $0xFFFF8000  }
.LBB2_9:
0x4b: {  	_ =	sfence.sel $0x180000  }
0x4c: {  	[bflag:$0x0] =	sbarrier.arrive $0xFFFF  }
0x4d: {  	p0 =	sne.s32 s1, $0x0;
	_ =	strace $0x90000047  }
0x4e: {  	s0 =	sadd.s32 @!p0 $0x100000, s0;
	[bflag:$0x2] =	sbarrier.arrive $0xFFFF  }
0x4f: {  	[sflag:s0] =	ssyncadd.tile.s32 @!p0 $0x1;
	_ =	shalt  }
.Lfunc_end2:
_tile_overlayer_lowered:
.L_overlay_start_2:
0x50: {  	(tag) =	ssettag $0x2  }
0x51: {  	s0 =	rddreg [dreg:$0x0];
	s2 =	stileid.u32  }
0x52: {  	s1 =	rddreg [dreg:$0x1];
	p0 =	sne.s32 s2, $0x0  }
0x53: {  	s3 =	rddreg [dreg:$0x2];
	[bflag:$0x3] =	sbarrier.arrive $0xFFFF;
	s2 =	simm.s32 @!p0 $0x1C01  }
0x54: {  	[timem:s3], [sflag:s2] =	dma.local @!p0 [hbm:s0], s1  }
0x55: {  	s0 =	simm.s32 @!p0 $0x1  }
0x56: {  	_ =	swait.ge @!p0 [sflag:s0], s1  }
0x57: {  	s1 =	ssub.s32 @!p0 $0x0, s1;
	[sflag:s0] =	ssyncset.done @!p0 $0x0  }
0x58: {  	[sflag:s0] =	ssyncadd.s32 @!p0 s1  }
0x59: {  	[bflag:$0x3] =	sbarrier.arrive $0xFFFF  }
0x5a: {  	_ =	shalt  }

// kernel: kernel.9.cloned.1.call-start
scs
__scs_entry_jumppad:
0x0: {  	(pc) =	sbr.rel $0x88, $3  }
0x1: {  	(tag) =	ssettag $0x0;
	lr =	simm.s32 $0x1  }
0x2: {  	[smem:$0x3F9F] =	sst lr;
	_ =	strace $0xD0000000  }
0x3: {  	_ = 	snop  }
0x4: {  	_ = 	snop  }
0x5: {  	_ = 	snop  }
0x6: {  	_ = 	snop  }
0x7: {  	_ = 	snop  }
__scs_overlays_trampoline_lowered:
0x8: {  	[smem:$0x3FAE] =	sst s0  }
0x9: {  	[smem:$0x3FAF] =	sst s1  }
0xa: {  	[smem:$0x3FB0] =	sst s2  }
0xb: {  	[smem:$0x3FB1] =	sst s3  }
0xc: {  	[smem:$0x3FB2] =	sst s4  }
0xd: {  	[smem:$0x3FB3] =	sst s5  }
0xe: {  	[smem:$0x3FB4] =	sst s6  }
0xf: {  	[smem:$0x3FB5] =	sst s7  }
0x10: {  	[smem:$0x3FB6] =	sst s8  }
0x11: {  	[smem:$0x3FB7] =	sst s9;
	s0 =	simm.s32 @!p0 $0x0  }
0x12: {  	s1 =	sld [smem:$0x3F9D];
	s0 =	simm.s32 @p0 $0x1  }
0x13: {  	[smem:$0x3FB8] =	sst s0;
	s0 =	simm.s32 @!p1 $0x0  }
0x14: {  	s2 =	sld [smem:$0x3F9C];
	s0 =	simm.s32 @p1 $0x1  }
0x15: {  	[smem:$0x3FB9] =	sst s0;
	s0 =	simm.s32 @!p2 $0x0  }
0x16: {  	s3 =	sld [smem:$0x3FDB];
	s0 =	simm.s32 @p2 $0x1  }
0x17: {  	s4 =	simm.s32 $0x1BF5;
	[smem:$0x3FBB] =	sst s0  }
0x18: {  	s0 =	sld [smem:$0x3F9E];
	_ =	swait.ge [sflag:s4], $0x0  }
0x19: {  	s7 =	sld [smem:$0x3F9F]  }
0x1a: {  	s8 =	sadd.s32 $0xFFFFE003, lr  }
0x1b: {  	s9 =	sadd.s32 $0xFFFFFEF7, lr;
	s5 =	simm.s32 $0xFFFFFFFF;
	p2 =	slt.u32 s8, $0xFFFFF086  }
0x1c: {  	p1 =	slt.u32 s9, $0xF7A;
	s5 =	simm.s32 @!p2 $0x0  }
0x1d: {  	s5 =	simm.s32 @p1 $0x1;
	p0 =	seq.s32 s7, s2  }
0x1e: {  	s7 =	smul.u32 @!p0 $0xF7A, s2;
	p2 =	seq.s32 @!p0 s5, $0x0  }
0x1f: {  	s9 =	smul.u32 $0xF7A, s1;
	s8 =	simm.s32 @!p0 $0x1BF5;
	p2 =	por !p2, p0  }
0x20: {  	[sflag:s8] =	ssyncset.s32 @!p0 $0xFFFFF086;
	s6 =	sadd.s32 @!p0 s3, s7;
	s7 =	simm.s32 @!p0 $0x108  }
0x21: {  	s3 =	sadd.s32 s3, s9;
	s6 =	sadd.s32 @!p0 $0x88, s6;
	s7 =	simm.s32 @p2 $0x1082  }
0x22: {  	[simem:s7], [sflag:s8] =	dma.local @!p0 [hbm:s6], $0xF7A  }
0x23: {  	s9 =	sor.u32 $0xD0000000, s2;
	s6 =	simm.s32 $0x108;
	_ =	swait.ge @!p0 [sflag:s8], $0x0  }
0x24: {  	s3 =	sadd.s32 $0x88, s3;
	s6 =	simm.s32 @!p1 $0x1082;
	[sflag:s4] =	ssyncset.s32 $0xFFFFF086  }
0x25: {  	[simem:s6], [sflag:s4] =	dma.local [hbm:s3], $0xF7A  }
0x26: {  	[smem:$0x3F9F] =	sst s1;
	(tag) =	ssettag s2;
	_ =	strace s9  }
0x27: {  	s1 =	sld [smem:$0x3FAF]  }
0x28: {  	s2 =	sld [smem:$0x3FB0]  }
0x29: {  	s4 =	sld [smem:$0x3FB2]  }
0x2a: {  	p0 =	seq.s32 s5, $0x0;
	s5 =	sld [smem:$0x3FB3]  }
0x2b: {  	s6 =	sld [smem:$0x3FB4]  }
0x2c: {  	s7 =	sld [smem:$0x3FB5]  }
0x2d: {  	s3 =	simm.s32 $0x108;
	s8 =	sld [smem:$0x3FB6]  }
0x2e: {  	s3 =	simm.s32 @!p0 $0x1082;
	s9 =	sld [smem:$0x3FB7]  }
0x2f: {  	lr =	sadd.s32 s0, s3;
	s0 =	sld [smem:$0x3FAE]  }
0x30: {  	s3 =	sld [smem:$0x3FB1]  }
0x31: {  	[smem:$0x3FBA] =	sst s10  }
0x32: {  	s10 =	sld [smem:$0x3FB8];
	_ =	sdelay $0x3  }
0x33: {  	p0 =	seq.s32 s10, $0x1;
	s10 =	sld [smem:$0x3FBA];
	_ =	sdelay $0x3  }
0x34: {  	[smem:$0x3FBA] =	sst s10  }
0x35: {  	s10 =	sld [smem:$0x3FB9];
	_ =	sdelay $0x3  }
0x36: {  	p1 =	seq.s32 s10, $0x1;
	s10 =	sld [smem:$0x3FBA];
	_ =	sdelay $0x3  }
0x37: {  	[smem:$0x3FBA] =	sst s10  }
0x38: {  	s10 =	sld [smem:$0x3FBB]  }
0x39: {  	_ = 	snop;
	(pc) =	sbr.ind lr, $3  }
0x3a: {  	_ = 	snop  }
0x3b: {  	_ = 	snop  }
0x3c: {  	p2 =	seq.s32 s10, $0x1;
	s10 =	sld [smem:$0x3FBA]  }
0x3d: {  	_ =	shalt  }
0x3e: {  	_ =	shalt  }
0x3f: {  	_ =	shalt  }
0x40: {  	_ =	shalt  }
0x41: {  	_ =	shalt  }
0x42: {  	_ =	shalt  }
0x43: {  	_ =	shalt  }
0x44: {  	_ =	shalt  }
0x45: {  	_ =	shalt  }
0x46: {  	_ =	shalt  }
0x47: {  	_ =	shalt  }
0x48: {  	_ =	shalt  }
0x49: {  	_ =	shalt  }
0x4a: {  	_ =	shalt  }
0x4b: {  	_ =	shalt  }
0x4c: {  	_ =	shalt  }
0x4d: {  	_ =	shalt  }
0x4e: {  	_ =	shalt  }
0x4f: {  	_ =	shalt  }
0x50: {  	_ =	shalt  }
0x51: {  	_ =	shalt  }
0x52: {  	_ =	shalt  }
0x53: {  	_ =	shalt  }
0x54: {  	_ =	shalt  }
0x55: {  	_ =	shalt  }
0x56: {  	_ =	shalt  }
0x57: {  	_ =	shalt  }
0x58: {  	_ =	shalt  }
0x59: {  	_ =	shalt  }
0x5a: {  	_ =	shalt  }
0x5b: {  	_ =	shalt  }
0x5c: {  	_ =	shalt  }
0x5d: {  	_ =	shalt  }
0x5e: {  	_ =	shalt  }
0x5f: {  	_ =	shalt  }
0x60: {  	_ =	shalt  }
0x61: {  	_ =	shalt  }
0x62: {  	_ =	shalt  }
0x63: {  	_ =	shalt  }
0x64: {  	_ =	shalt  }
0x65: {  	_ =	shalt  }
0x66: {  	_ =	shalt  }
0x67: {  	_ =	shalt  }
0x68: {  	_ =	shalt  }
0x69: {  	_ =	shalt  }
0x6a: {  	_ =	shalt  }
0x6b: {  	_ =	shalt  }
0x6c: {  	_ =	shalt  }
0x6d: {  	_ =	shalt  }
0x6e: {  	_ =	shalt  }
0x6f: {  	_ =	shalt  }
0x70: {  	_ =	shalt  }
0x71: {  	_ =	shalt  }
0x72: {  	_ =	shalt  }
0x73: {  	_ =	shalt  }
0x74: {  	_ =	shalt  }
0x75: {  	_ =	shalt  }
0x76: {  	_ =	shalt  }
0x77: {  	_ =	shalt  }
0x78: {  	_ =	shalt  }
0x79: {  	_ =	shalt  }
0x7a: {  	_ =	shalt  }
0x7b: {  	_ =	shalt  }
0x7c: {  	_ =	shalt  }
0x7d: {  	_ =	shalt  }
0x7e: {  	_ =	shalt  }
0x7f: {  	_ =	shalt  }
0x80: {  	_ =	shalt  }
0x81: {  	_ =	shalt  }
0x82: {  	_ =	shalt  }
0x83: {  	_ =	shalt  }
0x84: {  	_ =	shalt  }
0x85: {  	_ =	shalt  }
0x86: {  	_ =	shalt  }
0x87: {  	_ =	shalt  }
.Lfunc_end0:
.L_simem_size_0:
called_computation.1_lowered:
.L_overlay_start_0:
0x88: {  	s2 =	sld [smem:$0x3FD9]  }
0x89: {  	s3 =	sld [smem:$0x3FFE];
	_ =	sdelay $0x1  }
0x8a: {  	s1 =	srdreg.scid  }
0x8b: {  	s0 =	sand.u32 $0x1, s1  }
0x8c: {  	s16 =	sshll.u32 s0, $0xA;
	s2 =	sadd.s32 s3, s2  }
0x8d: {  	s2 =	sadd.s32 s2, s16  }
0x8e: {  	[smem:$0x3FC6] =	sst s2  }
0x8f: {  	_ = 	snop  }
0x90: {  	(tm) =	ssettm $0x1  }
0x91: {  	s17 =	sld [smem:$0x3FFB];
	_ =	sdelay $0x3  }
0x92: {  	_ =	strace s17  }
0x93: {  	s2 =	sld [smem:$0x3FFC];
	_ =	sdelay $0x3  }
0x94: {  	_ =	strace s2  }
0x95: {  	s2 =	sld [smem:$0x3FFD];
	_ =	sdelay $0x3  }
0x96: {  	_ =	strace s2  }
0x97: {  	_ =	strace $0x8FFFFFFF  }
0x98: {  	s18 =	sld [smem:$0x3FDB];
	_ =	sdelay $0x1  }
0x99: {  	s19 =	simm.s32 $_scs_section_size  }
0x9a: {  	s4 =	simm.s32 $_size__tile_overlayer_lowered;
	s5 =	simm.s32 $_tile_overlayer_lowered  }
0x9b: {  	s22 =	simm.s32 $0x1BFF;
	s21 =	sshll.u32 s5, $0x1;
	s2 =	sadd.s32 s19, s18  }
0x9c: {  	s6 =	simm.s32 $0x0;
	s20 =	sshll.u32 s4, $0x1;
	s4 =	sadd.s32 s21, s2  }
0x9d: {  	[timem:s6], [sflag:s22] =	dma.local [hbm:s4], s20  }
0x9e: {  	_ =	swait.ge [sflag:s22], s20  }
0x9f: {  	s3 =	ssub.s32 $0x0, s20;
	[sflag:s22] =	ssyncset.done $0x0  }
0xa0: {  	[sflag:s22] =	ssyncadd.s32 s3;
	_ =	sdelay $0x1  }
0xa1: {  	s23 =	simm.s32 $0x1B8B  }
0xa2: {  	_ =	swait.ge [sflag:s23], $0x1  }
0xa3: {  	[sflag:s23] =	ssyncset.done $0x0  }
0xa4: {  	s25 =	simm.s32 $0x1B8E;
	s24 =	sld [smem:$0x3FFE];
	[sflag:s23] =	ssyncadd.s32 $0xFFFFFFFF  }
0xa5: {  	s26 =	simm.s32 $execute0_lowered;
	[smem:$0x3FD2] =	sst s25  }
0xa6: {  	s4 =	sshll.u32 s26, $0x1;
	_ =	strace $0x80000049;
	[dreg:$0x1] =	wrdreg $0xFFFFFFFF  }
0xa7: {  	s28 =	simm.s32 $_size_execute0_lowered;
	s2 =	sadd.s32 s2, s4;
	[dreg:$0x0] =	wrdreg $0x0  }
0xa8: {  	s4 =	sshll.u32 s28, $0x1;
	[dreg:$0x2] =	wrdreg s2  }
0xa9: {  	[dreg:$0x3] =	wrdreg s4  }
0xaa: {  	[dreg:$0x4] =	wrdreg $0xC0  }
0xab: {  	_ =	task [dreg:s6], $0x5FFFF  }
0xac: {  	[dreg:$0x1] =	wrdreg $0xFFFFFFFF  }
0xad: {  	[dreg:$0x0] =	wrdreg $0x60  }
0xae: {  	[dreg:$0x2] =	wrdreg s24  }
0xaf: {  	[dreg:$0x3] =	wrdreg $0x9  }
0xb0: {  	_ =	task.clear_ibuf [dreg:s6], $0x4FFFF;
	_ =	strace $0x90000049  }
0xb1: {  	s29 =	simm.s32 $0x9;
	_ =	strace $0x8000004B  }
0xb2: {  	_ =	swait.ge [sflag:s29], $0x1  }
0xb3: {  	[sflag:s29] =	ssyncadd.s32 $0xFFFFFFFF  }
0xb4: {  	_ =	strace $0x9000004B  }
0xb5: {  	_ =	sfence  }
0xb6: {  	s30 =	sld [smem:$0x0];
	_ =	sdelay $0x2  }
0xb7: {  	s31 =	sshll.u32 s1, $0xD;
	s1 =	sshrl.u32 s1, $0x2  }
0xb8: {  	s3 =	sand.u32 $0x4000, s31;
	s1 =	sadd.s32 s1, s30  }
0xb9: {  	s0 =	sor.u32 s3, s0;
	s1 =	sshll.u32 s1, $0x11  }
0xba: {  	s0 =	sor.u32 s1, s0  }
0xbb: {  	s0 =	sadd.s32 $0x8F2B, s0  }
0xbc: {  	[sflag:s0] =	ssyncadd.remote.s32 $0x1  }
0xbd: {  	_ =	sfence.sel $0xFFFF  }
0xbe: {  	[dreg:$0x0] =	wrdreg $0xFFFFFFFF;
	(pc) =	sbr.abs _section_cstart, $3  }
0xbf: {  	[dreg:$0x1] =	wrdreg $0xFFFFFFFF  }
0xc0: {  	_ =	task.clear_ibuf [dreg:s6], $0x2FFFF;
	_ =	strace $0x9FFFFFFF  }
0xc1: {  	(tm) =	ssettm $0x7FFFFFFF  }
tec
execute0_lowered:
.L_overlay_start_1:
0x0: {  	(tag) =	ssettag $0x1  }
0x1: {  	s4 =	rddreg [dreg:$0x0]  }
0x2: {  	s0 =	rddreg [dreg:$0x1]  }
0x3: {  	s2 =	simm.s32 $0x0;
	s3 =	srdreg.scid;
	s1 =	stileid.u32  }
0x4: {  	s10 =	simm.s32 $0x2200;
	s11 =	simm.s32 $0x2080;
	s12 =	simm.s32 $0x4200  }
0x5: {  	s13 =	simm.s32 $0x2100;
	s14 =	simm.s32 $0x6200;
	s15 =	simm.s32 $0x2180  }
0x6: {  	s16 =	simm.s32 $0x8200;
	s17 =	simm.s32 $0x1;
	s18 =	simm.s32 $0x2  }
0x7: {  	s19 =	simm.s32 $0x3;
	s20 =	simm.s32 $0x4;
	s21 =	simm.s32 $0x5  }
0x8: {  	s22 =	simm.s32 $0x6;
	s24 =	simm.s32 $0x8;
	s25 =	simm.s32 $0x0  }
0x9: {  	[smem:$0x7FF] =	sst s2;
	s5 =	sand.u32 $0x1, s3;
	s3 =	sadd.s32 $0x10000, s4  }
0xa: {  	s6 =	sshll.u32 s1, $0xB;
	s29 =	sshll.u32 s1, $0x11;
	s9 =	sshll.u32 s1, $0xE  }
0xb: {  	_ =	strace $0x8000004A;
	s7 =	sshll.u32 s5, $0xA;
	s8 =	ssub.s32 $0x2, s5  }
0xc: {  	s5 =	sshll.u32 s5, $0x10;
	s23 =	sand.u32 $0x38000, s9;
	s9 =	simm.s32 $0x2000  }
0xd: {  	s6 =	sor.u32 s7, s6;
	s7 =	sadd.s32 s29, s4;
	s30 =	sshrl.u32 s8, $0x1  }
0xe: {  	v0 =	vmov s23;
	s23 =	simm.s32 $0x7;
	s6 =	sadd.s32 s6, s4;
	s8 =	ssub.s32 s8, s30  }
0xf: {  	s31 =	sadd.s32 s5, s7;
	s7 =	simm.s32 $0x9;
	s4 =	sadd.s32 $0x8000, s6  }
0x10: {  	s5 =	smax.u32 s8, $0x1;
	s6 =	sadd.s32 $0x210000, s31;
	s8 =	simm.s32 $0x80  }
.LBB2_1:
0x11: {  	[tilespmem:s2], [sflag:$0x9] =	stream.linear.gather [hbm4b:s4+s2], $0x2000, $0x38;
	[tilespmem:$0xA200] =	vst v63  }
0x12: {  	_ =	swait.ge [sflag:s7], $0x2000  }
0x13: {  	[sflag:s7] =	ssyncset.done $0x0  }
0x14: {  	s26 =	simm.s32 $0x100;
	s28 =	simm.s32 $0x0;
	[sflag:s7] =	ssyncadd.s32 $0xFFFFE000  }
.LBB2_2:
0x15: {  	p0 =	seq.s32 s28, $0x0  }
0x16: {  	s29 =	simm.s32 @!p0 $0x5  }
0x17: {  	_ =	swait.ge @!p0 [sflag:s29], $0x2000  }
0x18: {  	[sflag:s29] =	ssyncset.done @!p0 $0x0  }
0x19: {  	[sflag:s29] =	ssyncadd.s32 @!p0 $0xFFFFE000  }
0x1a: {  	v1 =	vld [tilespmem:s26+$0xFFFFFF00];
	_ =	sdelay $0x4  }
0x1b: {  	v1 =	vadd.s32 $0xFFFFFFFF, v1  }
0x1c: {  	vm0 =	vgt.s32 v1, $0x0  }
0x1d: {  	v1 =	vnsel vm0, $0x0, v1  }
0x1e: {  	v1 =	vadd.s32 v0, v1  }
0x1f: {  	[tilespmem:$0x2000] =	vst v1  }
0x20: {  	v1 =	vld [tilespmem:s26+$0xFFFFFF10];
	_ =	sdelay $0x4  }
0x21: {  	v1 =	vadd.s32 $0xFFFFFFFF, v1  }
0x22: {  	vm9 =	vgt.s32 v1, $0x0  }
0x23: {  	v1 =	vnsel vm9, $0x0, v1  }
0x24: {  	v1 =	vadd.s32 v0, v1  }
0x25: {  	[tilespmem:$0x2010] =	vst v1  }
0x26: {  	v1 =	vld [tilespmem:s26+$0xFFFFFF20];
	_ =	sdelay $0x4  }
0x27: {  	v1 =	vadd.s32 $0xFFFFFFFF, v1  }
0x28: {  	vm10 =	vgt.s32 v1, $0x0  }
0x29: {  	v1 =	vnsel vm10, $0x0, v1  }
0x2a: {  	v1 =	vadd.s32 v0, v1  }
0x2b: {  	[tilespmem:$0x2020] =	vst v1  }
0x2c: {  	v1 =	vld [tilespmem:s26+$0xFFFFFF30];
	_ =	sdelay $0x4  }
0x2d: {  	v1 =	vadd.s32 $0xFFFFFFFF, v1  }
0x2e: {  	vm11 =	vgt.s32 v1, $0x0  }
0x2f: {  	v1 =	vnsel vm11, $0x0, v1  }
0x30: {  	v1 =	vadd.s32 v0, v1  }
0x31: {  	[tilespmem:$0x2030] =	vst v1  }
0x32: {  	v1 =	vld [tilespmem:s26+$0xFFFFFF40];
	_ =	sdelay $0x4  }
0x33: {  	v1 =	vadd.s32 $0xFFFFFFFF, v1  }
0x34: {  	vm12 =	vgt.s32 v1, $0x0  }
0x35: {  	v1 =	vnsel vm12, $0x0, v1  }
0x36: {  	v1 =	vadd.s32 v0, v1  }
0x37: {  	[tilespmem:$0x2040] =	vst v1  }
0x38: {  	v1 =	vld [tilespmem:s26+$0xFFFFFF50];
	_ =	sdelay $0x4  }
0x39: {  	v1 =	vadd.s32 $0xFFFFFFFF, v1  }
0x3a: {  	vm13 =	vgt.s32 v1, $0x0  }
0x3b: {  	v1 =	vnsel vm13, $0x0, v1  }
0x3c: {  	v1 =	vadd.s32 v0, v1  }
0x3d: {  	[tilespmem:$0x2050] =	vst v1  }
0x3e: {  	v1 =	vld [tilespmem:s26+$0xFFFFFF60];
	_ =	sdelay $0x4  }
0x3f: {  	v1 =	vadd.s32 $0xFFFFFFFF, v1  }
0x40: {  	vm14 =	vgt.s32 v1, $0x0  }
0x41: {  	v1 =	vnsel vm14, $0x0, v1  }
0x42: {  	v1 =	vadd.s32 v0, v1  }
0x43: {  	[tilespmem:$0x2060] =	vst v1  }
0x44: {  	v1 =	vld [tilespmem:s26+$0xFFFFFF70];
	_ =	sdelay $0x4  }
0x45: {  	v1 =	vadd.s32 $0xFFFFFFFF, v1  }
0x46: {  	vm15 =	vgt.s32 v1, $0x0  }
0x47: {  	v1 =	vnsel vm15, $0x0, v1  }
0x48: {  	v1 =	vadd.s32 v0, v1  }
0x49: {  	s29 =	simm.s32 @!p0 $0x6;
	[tilespmem:$0x2070] =	vst v1  }
0x4a: {  	[tilespmem:s10], [sflag:$0x1] =	stream.indirect.gather [hbm4b:s3+s8], $0x40, s9, s8, $0xb8;
	[tilespmem:$0xA200] =	vst v63  }
0x4b: {  	_ =	swait.ge @!p0 [sflag:s29], $0x2000  }
0x4c: {  	[sflag:s29] =	ssyncset.done @!p0 $0x0  }
0x4d: {  	[sflag:s29] =	ssyncadd.s32 @!p0 $0xFFFFE000  }
0x4e: {  	v1 =	vld [tilespmem:s26+$0xFFFFFF80];
	_ =	sdelay $0x4  }
0x4f: {  	v1 =	vadd.s32 $0xFFFFFFFF, v1  }
0x50: {  	vm4 =	vgt.s32 v1, $0x0  }
0x51: {  	v1 =	vnsel vm4, $0x0, v1  }
0x52: {  	v1 =	vadd.s32 v0, v1  }
0x53: {  	[tilespmem:$0x2080] =	vst v1  }
0x54: {  	v1 =	vld [tilespmem:s26+$0xFFFFFF90];
	_ =	sdelay $0x4  }
0x55: {  	v1 =	vadd.s32 $0xFFFFFFFF, v1  }
0x56: {  	vm5 =	vgt.s32 v1, $0x0  }
0x57: {  	v1 =	vnsel vm5, $0x0, v1  }
0x58: {  	v1 =	vadd.s32 v0, v1  }
0x59: {  	[tilespmem:$0x2090] =	vst v1  }
0x5a: {  	v1 =	vld [tilespmem:s26+$0xFFFFFFA0];
	_ =	sdelay $0x4  }
0x5b: {  	v1 =	vadd.s32 $0xFFFFFFFF, v1  }
0x5c: {  	vm6 =	vgt.s32 v1, $0x0  }
0x5d: {  	v1 =	vnsel vm6, $0x0, v1  }
0x5e: {  	v1 =	vadd.s32 v0, v1  }
0x5f: {  	[tilespmem:$0x20A0] =	vst v1  }
0x60: {  	v1 =	vld [tilespmem:s26+$0xFFFFFFB0];
	_ =	sdelay $0x4  }
0x61: {  	v1 =	vadd.s32 $0xFFFFFFFF, v1  }
0x62: {  	vm7 =	vgt.s32 v1, $0x0  }
0x63: {  	v1 =	vnsel vm7, $0x0, v1  }
0x64: {  	v1 =	vadd.s32 v0, v1  }
0x65: {  	[tilespmem:$0x20B0] =	vst v1  }
0x66: {  	v1 =	vld [tilespmem:s26+$0xFFFFFFC0];
	_ =	sdelay $0x4  }
0x67: {  	v1 =	vadd.s32 $0xFFFFFFFF, v1  }
0x68: {  	vm8 =	vgt.s32 v1, $0x0  }
0x69: {  	v1 =	vnsel vm8, $0x0, v1  }
0x6a: {  	v1 =	vadd.s32 v0, v1  }
0x6b: {  	[tilespmem:$0x20C0] =	vst v1  }
0x6c: {  	v1 =	vld [tilespmem:s26+$0xFFFFFFD0];
	_ =	sdelay $0x4  }
0x6d: {  	v1 =	vadd.s32 $0xFFFFFFFF, v1  }
0x6e: {  	vm9 =	vgt.s32 v1, $0x0  }
0x6f: {  	v1 =	vnsel vm9, $0x0, v1  }
0x70: {  	v1 =	vadd.s32 v0, v1  }
0x71: {  	[tilespmem:$0x20D0] =	vst v1  }
0x72: {  	v1 =	vld [tilespmem:s26+$0xFFFFFFE0];
	_ =	sdelay $0x4  }
0x73: {  	v1 =	vadd.s32 $0xFFFFFFFF, v1  }
0x74: {  	vm10 =	vgt.s32 v1, $0x0  }
0x75: {  	v1 =	vnsel vm10, $0x0, v1  }
0x76: {  	v1 =	vadd.s32 v0, v1  }
0x77: {  	[tilespmem:$0x20E0] =	vst v1  }
0x78: {  	v1 =	vld [tilespmem:s26+$0xFFFFFFF0];
	_ =	sdelay $0x4  }
0x79: {  	v1 =	vadd.s32 $0xFFFFFFFF, v1  }
0x7a: {  	vm11 =	vgt.s32 v1, $0x0  }
0x7b: {  	v1 =	vnsel vm11, $0x0, v1  }
0x7c: {  	v1 =	vadd.s32 v0, v1  }
0x7d: {  	s29 =	simm.s32 @!p0 $0x7;
	[tilespmem:$0x20F0] =	vst v1  }
0x7e: {  	[tilespmem:s12], [sflag:$0x2] =	stream.indirect.gather [hbm4b:s3+s8], $0x40, s11, s8, $0xb8;
	[tilespmem:$0xA200] =	vst v63  }
0x7f: {  	_ =	swait.ge @!p0 [sflag:s29], $0x2000  }
0x80: {  	[sflag:s29] =	ssyncset.done @!p0 $0x0  }
0x81: {  	[sflag:s29] =	ssyncadd.s32 @!p0 $0xFFFFE000  }
0x82: {  	v1 =	vld [tilespmem:s26+$0x0];
	_ =	sdelay $0x4  }
0x83: {  	v1 =	vadd.s32 $0xFFFFFFFF, v1  }
0x84: {  	vm12 =	vgt.s32 v1, $0x0  }
0x85: {  	v1 =	vnsel vm12, $0x0, v1  }
0x86: {  	v1 =	vadd.s32 v0, v1  }
0x87: {  	[tilespmem:$0x2100] =	vst v1  }
0x88: {  	v1 =	vld [tilespmem:s26+$0x10];
	_ =	sdelay $0x4  }
0x89: {  	v1 =	vadd.s32 $0xFFFFFFFF, v1  }
0x8a: {  	vm13 =	vgt.s32 v1, $0x0  }
0x8b: {  	v1 =	vnsel vm13, $0x0, v1  }
0x8c: {  	v1 =	vadd.s32 v0, v1  }
0x8d: {  	[tilespmem:$0x2110] =	vst v1  }
0x8e: {  	v1 =	vld [tilespmem:s26+$0x20];
	_ =	sdelay $0x4  }
0x8f: {  	v1 =	vadd.s32 $0xFFFFFFFF, v1  }
0x90: {  	vm14 =	vgt.s32 v1, $0x0  }
0x91: {  	v1 =	vnsel vm14, $0x0, v1  }
0x92: {  	v1 =	vadd.s32 v0, v1  }
0x93: {  	[tilespmem:$0x2120] =	vst v1  }
0x94: {  	v1 =	vld [tilespmem:s26+$0x30];
	_ =	sdelay $0x4  }
0x95: {  	v1 =	vadd.s32 $0xFFFFFFFF, v1  }
0x96: {  	vm15 =	vgt.s32 v1, $0x0  }
0x97: {  	v1 =	vnsel vm15, $0x0, v1  }
0x98: {  	v1 =	vadd.s32 v0, v1  }
0x99: {  	[tilespmem:$0x2130] =	vst v1  }
0x9a: {  	v1 =	vld [tilespmem:s26+$0x40];
	_ =	sdelay $0x4  }
0x9b: {  	v1 =	vadd.s32 $0xFFFFFFFF, v1  }
0x9c: {  	vm4 =	vgt.s32 v1, $0x0  }
0x9d: {  	v1 =	vnsel vm4, $0x0, v1  }
0x9e: {  	v1 =	vadd.s32 v0, v1  }
0x9f: {  	[tilespmem:$0x2140] =	vst v1  }
0xa0: {  	v1 =	vld [tilespmem:s26+$0x50];
	_ =	sdelay $0x4  }
0xa1: {  	v1 =	vadd.s32 $0xFFFFFFFF, v1  }
0xa2: {  	vm5 =	vgt.s32 v1, $0x0  }
0xa3: {  	v1 =	vnsel vm5, $0x0, v1  }
0xa4: {  	v1 =	vadd.s32 v0, v1  }
0xa5: {  	[tilespmem:$0x2150] =	vst v1  }
0xa6: {  	v1 =	vld [tilespmem:s26+$0x60];
	_ =	sdelay $0x4  }
0xa7: {  	v1 =	vadd.s32 $0xFFFFFFFF, v1  }
0xa8: {  	vm6 =	vgt.s32 v1, $0x0  }
0xa9: {  	v1 =	vnsel vm6, $0x0, v1  }
0xaa: {  	v1 =	vadd.s32 v0, v1  }
0xab: {  	[tilespmem:$0x2160] =	vst v1  }
0xac: {  	v1 =	vld [tilespmem:s26+$0x70];
	_ =	sdelay $0x4  }
0xad: {  	v1 =	vadd.s32 $0xFFFFFFFF, v1  }
0xae: {  	vm7 =	vgt.s32 v1, $0x0  }
0xaf: {  	v1 =	vnsel vm7, $0x0, v1  }
0xb0: {  	v1 =	vadd.s32 v0, v1  }
0xb1: {  	s29 =	simm.s32 @!p0 $0x8;
	[tilespmem:$0x2170] =	vst v1  }
0xb2: {  	[tilespmem:s14], [sflag:$0x3] =	stream.indirect.gather [hbm4b:s3+s8], $0x40, s13, s8, $0xb8;
	[tilespmem:$0xA200] =	vst v63  }
0xb3: {  	_ =	swait.ge @!p0 [sflag:s29], $0x2000  }
0xb4: {  	[sflag:s29] =	ssyncset.done @!p0 $0x0  }
0xb5: {  	[sflag:s29] =	ssyncadd.s32 @!p0 $0xFFFFE000  }
0xb6: {  	v1 =	vld [tilespmem:s26+$0x80];
	_ =	sdelay $0x4  }
0xb7: {  	v1 =	vadd.s32 $0xFFFFFFFF, v1  }
0xb8: {  	vm8 =	vgt.s32 v1, $0x0  }
0xb9: {  	v1 =	vnsel vm8, $0x0, v1  }
0xba: {  	v1 =	vadd.s32 v0, v1  }
0xbb: {  	[tilespmem:$0x2180] =	vst v1  }
0xbc: {  	v1 =	vld [tilespmem:s26+$0x90];
	_ =	sdelay $0x4  }
0xbd: {  	v1 =	vadd.s32 $0xFFFFFFFF, v1  }
0xbe: {  	vm9 =	vgt.s32 v1, $0x0  }
0xbf: {  	v1 =	vnsel vm9, $0x0, v1  }
0xc0: {  	v1 =	vadd.s32 v0, v1  }
0xc1: {  	[tilespmem:$0x2190] =	vst v1  }
0xc2: {  	v1 =	vld [tilespmem:s26+$0xA0];
	_ =	sdelay $0x4  }
0xc3: {  	v1 =	vadd.s32 $0xFFFFFFFF, v1  }
0xc4: {  	vm10 =	vgt.s32 v1, $0x0  }
0xc5: {  	v1 =	vnsel vm10, $0x0, v1  }
0xc6: {  	v1 =	vadd.s32 v0, v1  }
0xc7: {  	[tilespmem:$0x21A0] =	vst v1  }
0xc8: {  	v1 =	vld [tilespmem:s26+$0xB0];
	_ =	sdelay $0x4  }
0xc9: {  	v1 =	vadd.s32 $0xFFFFFFFF, v1  }
0xca: {  	vm11 =	vgt.s32 v1, $0x0  }
0xcb: {  	v1 =	vnsel vm11, $0x0, v1  }
0xcc: {  	v1 =	vadd.s32 v0, v1  }
0xcd: {  	[tilespmem:$0x21B0] =	vst v1  }
0xce: {  	v1 =	vld [tilespmem:s26+$0xC0];
	_ =	sdelay $0x4  }
0xcf: {  	v1 =	vadd.s32 $0xFFFFFFFF, v1  }
0xd0: {  	vm12 =	vgt.s32 v1, $0x0  }
0xd1: {  	v1 =	vnsel vm12, $0x0, v1  }
0xd2: {  	v1 =	vadd.s32 v0, v1  }
0xd3: {  	[tilespmem:$0x21C0] =	vst v1  }
0xd4: {  	v1 =	vld [tilespmem:s26+$0xD0];
	_ =	sdelay $0x4  }
0xd5: {  	v1 =	vadd.s32 $0xFFFFFFFF, v1  }
0xd6: {  	vm13 =	vgt.s32 v1, $0x0  }
0xd7: {  	v1 =	vnsel vm13, $0x0, v1  }
0xd8: {  	v1 =	vadd.s32 v0, v1  }
0xd9: {  	[tilespmem:$0x21D0] =	vst v1  }
0xda: {  	v1 =	vld [tilespmem:s26+$0xE0];
	_ =	sdelay $0x4  }
0xdb: {  	v1 =	vadd.s32 $0xFFFFFFFF, v1  }
0xdc: {  	vm14 =	vgt.s32 v1, $0x0  }
0xdd: {  	v1 =	vnsel vm14, $0x0, v1  }
0xde: {  	v1 =	vadd.s32 v0, v1  }
0xdf: {  	[tilespmem:$0x21E0] =	vst v1  }
0xe0: {  	v1 =	vld [tilespmem:s26+$0xF0];
	_ =	sdelay $0x4  }
0xe1: {  	v1 =	vadd.s32 $0xFFFFFFFF, v1  }
0xe2: {  	vm15 =	vgt.s32 v1, $0x0  }
0xe3: {  	v1 =	vnsel vm15, $0x0, v1  }
0xe4: {  	v1 =	vadd.s32 v0, v1  }
0xe5: {  	[tilespmem:$0x21F0] =	vst v1  }
0xe6: {  	[tilespmem:s16], [sflag:$0x4] =	stream.indirect.gather [hbm4b:s3+s8], $0x40, s15, s8, $0xb8;
	[tilespmem:$0xA200] =	vst v63  }
0xe7: {  	_ =	swait.ge [sflag:s17], $0x2000  }
0xe8: {  	[sflag:s17] =	ssyncset.done $0x0  }
0xe9: {  	s29 =	sadd.s32 s28, s6;
	[sflag:s17] =	ssyncadd.s32 $0xFFFFE000  }
0xea: {  	[hbm4b:s29+s2] =	stream.linear.scatter [tilespmem:s10], [sflag:$0x5], $0x2000, $0x38;
	[tilespmem:$0xA200] =	vst v63  }
0xeb: {  	_ =	swait.ge [sflag:s18], $0x2000  }
0xec: {  	[sflag:s18] =	ssyncset.done $0x0  }
0xed: {  	s30 =	sadd.s32 $0x400, s29;
	[sflag:s18] =	ssyncadd.s32 $0xFFFFE000  }
0xee: {  	[hbm4b:s30+s2] =	stream.linear.scatter [tilespmem:s12], [sflag:$0x6], $0x2000, $0x38;
	[tilespmem:$0xA200] =	vst v63  }
0xef: {  	_ =	swait.ge [sflag:s19], $0x2000  }
0xf0: {  	s28 =	sadd.s32 $0x1000, s28;
	[sflag:s19] =	ssyncset.done $0x0  }
0xf1: {  	s31 =	sadd.s32 $0x800, s29;
	p0 =	sne.s32 s28, $0x10000;
	[sflag:s19] =	ssyncadd.s32 $0xFFFFE000  }
0xf2: {  	[hbm4b:s31+s2] =	stream.linear.scatter [tilespmem:s14], [sflag:$0x7], $0x2000, $0x38;
	[tilespmem:$0xA200] =	vst v63  }
.Ltmp0:
0xf3: {  	_ = 	snop;
	(pc) =	sbr.rel @p0 .LBB2_2-.Ltmp0, $4  }
0xf4: {  	_ =	swait.ge [sflag:s20], $0x2000  }
0xf5: {  	[sflag:s20] =	ssyncset.done $0x0  }
0xf6: {  	s26 =	sadd.s32 $0x200, s26;
	s29 =	sadd.s32 $0xC00, s29;
	[sflag:s20] =	ssyncadd.s32 $0xFFFFE000  }
0xf7: {  	[hbm4b:s29+s2] =	stream.linear.scatter [tilespmem:s16], [sflag:$0x8], $0x2000, $0x38;
	[tilespmem:$0xA200] =	vst v63  }
0xf8: {  	_ =	swait.ge [sflag:s21], $0x2000  }
0xf9: {  	[sflag:s21] =	ssyncset.done $0x0  }
0xfa: {  	[sflag:s21] =	ssyncadd.s32 $0xFFFFE000  }
0xfb: {  	_ =	swait.ge [sflag:s22], $0x2000  }
0xfc: {  	[sflag:s22] =	ssyncset.done $0x0  }
0xfd: {  	s25 =	sadd.s32 $0x1, s25;
	[sflag:s22] =	ssyncadd.s32 $0xFFFFE000  }
0xfe: {  	p0 =	sne.s32 s25, s5;
	_ =	swait.ge [sflag:s23], $0x2000  }
.Ltmp1:
0xff: {  	[sflag:s23] =	ssyncset.done $0x0;
	(pc) =	sbr.rel @p0 .LBB2_1-.Ltmp1, $4  }
0x100: {  	[sflag:s23] =	ssyncadd.s32 $0xFFFFE000  }
0x101: {  	_ =	swait.ge [sflag:s24], $0x2000  }
0x102: {  	[sflag:s24] =	ssyncset.done $0x0  }
0x103: {  	[sflag:s24] =	ssyncadd.s32 $0xFFFFE000  }
0x104: {  	_ =	sfence.sel $0x180000  }
0x105: {  	[bflag:$0x0] =	sbarrier.arrive $0xFFFF  }
0x106: {  	p0 =	sne.s32 s1, $0x0;
	_ =	strace $0x9000004A  }
0x107: {  	s0 =	sadd.s32 @!p0 $0x100000, s0;
	[bflag:$0x2] =	sbarrier.arrive $0xFFFF  }
0x108: {  	[sflag:s0] =	ssyncadd.tile.s32 @!p0 $0x1;
	_ =	shalt  }
.Lfunc_end2:
_tile_overlayer_lowered:
.L_overlay_start_2:
0x109: {  	(tag) =	ssettag $0x2  }
0x10a: {  	s0 =	rddreg [dreg:$0x0];
	s2 =	stileid.u32  }
0x10b: {  	s1 =	rddreg [dreg:$0x1];
	p0 =	sne.s32 s2, $0x0  }
0x10c: {  	s3 =	rddreg [dreg:$0x2];
	[bflag:$0x3] =	sbarrier.arrive $0xFFFF;
	s2 =	simm.s32 @!p0 $0x1C09  }
0x10d: {  	[timem:s3], [sflag:s2] =	dma.local @!p0 [hbm:s0], s1  }
0x10e: {  	s0 =	simm.s32 @!p0 $0x9  }
0x10f: {  	_ =	swait.ge @!p0 [sflag:s0], s1  }
0x110: {  	s1 =	ssub.s32 @!p0 $0x0, s1;
	[sflag:s0] =	ssyncset.done @!p0 $0x0  }
0x111: {  	[sflag:s0] =	ssyncadd.s32 @!p0 s1  }
0x112: {  	[bflag:$0x3] =	sbarrier.arrive $0xFFFF  }
0x113: {  	_ =	shalt  }

</sc_bundles>
